<compile_context>
chip_gen: v7x
topology: tpu7x:2x2x1
jax: 0.10.2.dev20260603
libtpu: 0.0.44.dev20260713+nightly
codegen_flags: <defaults>
</compile_context>

<pallas_src>
import functools

import jax
import jax.numpy as jnp
from jax import lax
from jax.experimental import pallas as pl
from jax.experimental.pallas import tpu as pltpu
from jax.experimental.pallas import tpu_sc as plsc

NC = 2
NS = 16
NW = NC * NS
HALF = 100
HPAD = 128
NBUF = 4


@functools.cache
def _make_sc_kernel(B, L, V, E):
    R = B * L
    RW = R // NW
    NCH = RW // L
    mesh = plsc.VectorSubcoreMesh(core_axis_name="c", subcore_axis_name="s")

    @functools.partial(
        pl.kernel,
        out_type=jax.ShapeDtypeStruct((R, E), jnp.float32),
        mesh=mesh,
        scratch_types=[
            pltpu.VMEM_SHARED((L, E), jnp.float32),
            [pltpu.VMEM((2, HPAD), jnp.int32) for _ in range(NBUF)],
            [pltpu.VMEM((L, E), jnp.float32) for _ in range(NBUF)],
            [pltpu.SemaphoreType.DMA for _ in range(NBUF)],
            [pltpu.SemaphoreType.DMA for _ in range(NBUF)],
            [pltpu.SemaphoreType.DMA for _ in range(NBUF)],
            [pltpu.SemaphoreType.DMA for _ in range(NBUF)],
        ],
    )
    def k(inp_hbm, tab_hbm, pos_hbm, out_hbm,
          pos_s, ibuf, rows, isem, psem, gsem, osem):
        wid = lax.axis_index("s") * NC + lax.axis_index("c")
        base = wid * RW

        @pl.when(lax.axis_index("s") == 0)
        def _():
            pltpu.sync_copy(pos_hbm, pos_s)
        plsc.subcore_barrier()

        def start_stage(c, b):
            pltpu.async_copy(inp_hbm.at[wid, c], ibuf[b], isem[b])
            pltpu.async_copy(pos_s, rows[b], psem[b])

        def wait_stage(b):
            pltpu.make_async_copy(inp_hbm.at[0, 0], ibuf[b], isem[b]).wait()
            pltpu.make_async_copy(pos_s, rows[b], psem[b]).wait()

        def start_gather(c, b):
            for h in range(2):
                pltpu.async_copy(tab_hbm.at[ibuf[b].at[h, pl.ds(0, HALF)]],
                                 rows[b].at[pl.ds(h * HALF, HALF)],
                                 gsem[b], add=True)

        def wait_gather(b):
            for h in range(2):
                pltpu.make_async_copy(
                    tab_hbm.at[ibuf[b].at[0, pl.ds(0, HALF)]],
                    rows[b].at[pl.ds(h * HALF, HALF)], gsem[b]).wait()

        def wait_write(b):
            pltpu.make_async_copy(rows[b], out_hbm.at[pl.ds(0, L)],
                                  osem[b]).wait()

        for b in range(NBUF - 1):
            start_stage(b, b)
        wait_stage(0)
        start_gather(0, 0)

        def step_body(p, carry):
            for b in range(NBUF):
                c = p * NBUF + b
                b1 = (b + 1) % NBUF
                b3 = (b + NBUF - 1) % NBUF

                @pl.when(c + NBUF - 1 < NCH)
                def _():
                    @pl.when(c > 0)
                    def _():
                        wait_write(b3)
                    start_stage(c + NBUF - 1, b3)

                @pl.when(c + 1 < NCH)
                def _():
                    wait_stage(b1)
                    start_gather(c + 1, b1)

                wait_gather(b)
                pltpu.async_copy(rows[b],
                                 out_hbm.at[pl.ds(base + c * L, L)],
                                 osem[b])
            return carry

        lax.fori_loop(0, NCH // NBUF, step_body, 0)
        for b in range(NBUF):
            wait_write(b)

    return k


def kernel(inputs, text_table, pos_table):
    B, L = inputs.shape
    V, E = text_table.shape
    k = _make_sc_kernel(B, L, V, E)
    NCH = B // NW
    idx = inputs.reshape(NW, NCH, 2, HALF).astype(jnp.int32)
    idx = jnp.pad(idx, ((0, 0), (0, 0), (0, 0), (0, HPAD - HALF)))
    out = k(idx, text_table, pos_table)
    return out.reshape(B, L, E)

# --- scband reference (transcript-rebuilt; emitter-appended) ---
"""Pipeline reference for scband-combined-encoding-6682969113139 (READ-ONLY COPY).

The authoritative reference and input builder live on the scoring server;
editing this copy changes nothing except your own understanding.
"""

import jax, jax.numpy as jnp
import numpy as np

VOCAB = 100000
MAX_LEN = 200
EMB = 128
BATCH = 4096

def setup_inputs(seed: int = 0) -> dict:
    key = jax.random.key(seed)
    k1, k2, k3 = jax.random.split(key, 3)
    inputs = jax.random.randint(k1, (BATCH, MAX_LEN), 0, VOCAB, dtype=jnp.int64 if jax.config.jax_enable_x64 else jnp.int32)
    text_table = jax.random.normal(k2, (VOCAB, EMB), dtype=jnp.float32) * 0.05
    pos_table = jax.random.normal(k3, (MAX_LEN, EMB), dtype=jnp.float32) * 0.05
    return {"inputs": inputs, "text_table": text_table, "pos_table": pos_table}

def reference(inputs, text_table, pos_table):
    seq_len = inputs.shape[-1]
    positions = jnp.arange(0, seq_len)
    pos_emb = jnp.take(pos_table, positions, axis=0)          # [L, E]
    tok_emb = jnp.take(text_table, inputs, axis=0)            # [B, L, E]
    output = tok_emb + pos_emb[None, :, :]
    return output

if __name__ == "__main__":
    import jax
    _d = setup_inputs()
    print(jax.jit(kernel)(*tuple(_d.values())))

</pallas_src>

<mosaic_0001>
#map = affine_map<(d0, d1) -> (0, 0, 0, 0)>
#map1 = affine_map<(d0, d1) -> (0, 0)>
module attributes {stable_mosaic.version = 14 : i64} {
  func.func @k(%arg0: i32, %arg1: i32, %arg2: memref<32x128x2x128xi32, #tpu.memory_space<hbm>>, %arg3: memref<100000x128xf32, #tpu.memory_space<hbm>>, %arg4: memref<200x128xf32, #tpu.memory_space<hbm>>, %arg5: memref<819200x128xf32, #tpu.memory_space<hbm>>, %arg6: memref<200x128xf32, #tpu.memory_space<vmem_shared>>, %arg7: memref<2x128xi32, #tpu.memory_space<vmem>>, %arg8: memref<2x128xi32, #tpu.memory_space<vmem>>, %arg9: memref<2x128xi32, #tpu.memory_space<vmem>>, %arg10: memref<2x128xi32, #tpu.memory_space<vmem>>, %arg11: memref<200x128xf32, #tpu.memory_space<vmem>>, %arg12: memref<200x128xf32, #tpu.memory_space<vmem>>, %arg13: memref<200x128xf32, #tpu.memory_space<vmem>>, %arg14: memref<200x128xf32, #tpu.memory_space<vmem>>, %arg15: memref<!tpu.dma_semaphore, #tpu.memory_space<semaphore_mem>>, %arg16: memref<!tpu.dma_semaphore, #tpu.memory_space<semaphore_mem>>, %arg17: memref<!tpu.dma_semaphore, #tpu.memory_space<semaphore_mem>>, %arg18: memref<!tpu.dma_semaphore, #tpu.memory_space<semaphore_mem>>, %arg19: memref<!tpu.dma_semaphore, #tpu.memory_space<semaphore_mem>>, %arg20: memref<!tpu.dma_semaphore, #tpu.memory_space<semaphore_mem>>, %arg21: memref<!tpu.dma_semaphore, #tpu.memory_space<semaphore_mem>>, %arg22: memref<!tpu.dma_semaphore, #tpu.memory_space<semaphore_mem>>, %arg23: memref<!tpu.dma_semaphore, #tpu.memory_space<semaphore_mem>>, %arg24: memref<!tpu.dma_semaphore, #tpu.memory_space<semaphore_mem>>, %arg25: memref<!tpu.dma_semaphore, #tpu.memory_space<semaphore_mem>>, %arg26: memref<!tpu.dma_semaphore, #tpu.memory_space<semaphore_mem>>, %arg27: memref<!tpu.dma_semaphore, #tpu.memory_space<semaphore_mem>>, %arg28: memref<!tpu.dma_semaphore, #tpu.memory_space<semaphore_mem>>, %arg29: memref<!tpu.dma_semaphore, #tpu.memory_space<semaphore_mem>>, %arg30: memref<!tpu.dma_semaphore, #tpu.memory_space<semaphore_mem>>) attributes {dimension_semantics = [#tpu.dimension_semantics<core_parallel>, #tpu.dimension_semantics<subcore_parallel>], iteration_bounds = array<i64: 2, 16>, scalar_prefetch = 0 : i64, scratch_operands = 25 : i64, tpu.core_type = #tpu.core_type<sc_vector_subcore>, window_params = [{transform_indices = #map}, {transform_indices = #map1}, {transform_indices = #map1}, {transform_indices = #map1}]} {
    %mul3A = arith.constant 2 : i32
    %mul3A_0 = arith.muli %arg1, %mul3A : i32
    %add3A = arith.addi %mul3A_0, %arg0 : i32
    %mul3A_1 = arith.constant 25600 : i32
    %mul3A_2 = arith.muli %add3A, %mul3A_1 : i32
    %eq3A = arith.constant 0 : i32
    %eq3A_3 = arith.cmpi eq, %arg1, %eq3A : i32
    %convert_element_type3A = arith.extui %eq3A_3 : i1 to i32
    %cond3A = arith.constant 0 : i32
    %cond3A_4 = arith.cmpi ne, %convert_element_type3A, %cond3A : i32
    scf.if %cond3A_4 {
      "tpu.region"() ({
        %run_scoped3A = tpu.sem_alloc : memref<!tpu.dma_semaphore, #tpu.memory_space<semaphore_mem>>
        tpu.enqueue_dma source(%arg4 : memref<200x128xf32, #tpu.memory_space<hbm>>) target(%arg6 : memref<200x128xf32, #tpu.memory_space<vmem_shared>>) target_semaphore(%run_scoped3A : memref<!tpu.dma_semaphore, #tpu.memory_space<semaphore_mem>>)
        tpu.wait_dma2 semaphore(%run_scoped3A : memref<!tpu.dma_semaphore, #tpu.memory_space<semaphore_mem>>) src(%arg4 : memref<200x128xf32, #tpu.memory_space<hbm>>) dst(%arg6 : memref<200x128xf32, #tpu.memory_space<vmem_shared>>)
        tpu.yield
      }) : () -> ()
    } else {
    }
    %barrier3A = arith.constant 0 : index
    tpu.barrier barrier_id(%barrier3A)
    %dma_start3A = arith.constant 0 : i32
    %dma_start3A_5 = arith.constant 0 : i32
    %dma_start3A_6 = arith.constant 0 : i32
    %dma_start3A_7 = tpu.memref_slice %arg2[%add3A, %dma_start3A, %dma_start3A_5, %dma_start3A_6] : memref<32x128x2x128xi32, #tpu.memory_space<hbm>> -> memref<1x1x2x128xi32, #tpu.memory_space<hbm>>
    %dma_start3A_8 = tpu.memref_squeeze %dma_start3A_7 : memref<1x1x2x128xi32, #tpu.memory_space<hbm>> -> memref<2x128xi32, #tpu.memory_space<hbm>>
    %dma_start3A_9 = arith.constant 0 : i32
    %dma_start3A_10 = arith.constant 0 : i32
    %dma_start3A_11 = tpu.memref_slice %arg2[%add3A, %dma_start3A, %dma_start3A_9, %dma_start3A_10] : memref<32x128x2x128xi32, #tpu.memory_space<hbm>> -> memref<1x1x2x128xi32, #tpu.memory_space<hbm>>
    %dma_start3A_12 = tpu.memref_squeeze %dma_start3A_11 : memref<1x1x2x128xi32, #tpu.memory_space<hbm>> -> memref<2x128xi32, #tpu.memory_space<hbm>>
    tpu.enqueue_dma source(%dma_start3A_12 : memref<2x128xi32, #tpu.memory_space<hbm>>) target(%arg7 : memref<2x128xi32, #tpu.memory_space<vmem>>) target_semaphore(%arg15 : memref<!tpu.dma_semaphore, #tpu.memory_space<semaphore_mem>>)
    tpu.enqueue_dma source(%arg6 : memref<200x128xf32, #tpu.memory_space<vmem_shared>>) target(%arg11 : memref<200x128xf32, #tpu.memory_space<vmem>>) target_semaphore(%arg19 : memref<!tpu.dma_semaphore, #tpu.memory_space<semaphore_mem>>)
    %dma_start3A_13 = arith.constant 1 : i32
    %dma_start3A_14 = arith.constant 0 : i32
    %dma_start3A_15 = arith.constant 0 : i32
    %dma_start3A_16 = tpu.memref_slice %arg2[%add3A, %dma_start3A_13, %dma_start3A_14, %dma_start3A_15] : memref<32x128x2x128xi32, #tpu.memory_space<hbm>> -> memref<1x1x2x128xi32, #tpu.memory_space<hbm>>
    %dma_start3A_17 = tpu.memref_squeeze %dma_start3A_16 : memref<1x1x2x128xi32, #tpu.memory_space<hbm>> -> memref<2x128xi32, #tpu.memory_space<hbm>>
    %dma_start3A_18 = arith.constant 0 : i32
    %dma_start3A_19 = arith.constant 0 : i32
    %dma_start3A_20 = tpu.memref_slice %arg2[%add3A, %dma_start3A_13, %dma_start3A_18, %dma_start3A_19] : memref<32x128x2x128xi32, #tpu.memory_space<hbm>> -> memref<1x1x2x128xi32, #tpu.memory_space<hbm>>
    %dma_start3A_21 = tpu.memref_squeeze %dma_start3A_20 : memref<1x1x2x128xi32, #tpu.memory_space<hbm>> -> memref<2x128xi32, #tpu.memory_space<hbm>>
    tpu.enqueue_dma source(%dma_start3A_21 : memref<2x128xi32, #tpu.memory_space<hbm>>) target(%arg8 : memref<2x128xi32, #tpu.memory_space<vmem>>) target_semaphore(%arg16 : memref<!tpu.dma_semaphore, #tpu.memory_space<semaphore_mem>>)
    tpu.enqueue_dma source(%arg6 : memref<200x128xf32, #tpu.memory_space<vmem_shared>>) target(%arg12 : memref<200x128xf32, #tpu.memory_space<vmem>>) target_semaphore(%arg20 : memref<!tpu.dma_semaphore, #tpu.memory_space<semaphore_mem>>)
    %dma_start3A_22 = arith.constant 2 : i32
    %dma_start3A_23 = arith.constant 0 : i32
    %dma_start3A_24 = arith.constant 0 : i32
    %dma_start3A_25 = tpu.memref_slice %arg2[%add3A, %dma_start3A_22, %dma_start3A_23, %dma_start3A_24] : memref<32x128x2x128xi32, #tpu.memory_space<hbm>> -> memref<1x1x2x128xi32, #tpu.memory_space<hbm>>
    %dma_start3A_26 = tpu.memref_squeeze %dma_start3A_25 : memref<1x1x2x128xi32, #tpu.memory_space<hbm>> -> memref<2x128xi32, #tpu.memory_space<hbm>>
    %dma_start3A_27 = arith.constant 0 : i32
    %dma_start3A_28 = arith.constant 0 : i32
    %dma_start3A_29 = tpu.memref_slice %arg2[%add3A, %dma_start3A_22, %dma_start3A_27, %dma_start3A_28] : memref<32x128x2x128xi32, #tpu.memory_space<hbm>> -> memref<1x1x2x128xi32, #tpu.memory_space<hbm>>
    %dma_start3A_30 = tpu.memref_squeeze %dma_start3A_29 : memref<1x1x2x128xi32, #tpu.memory_space<hbm>> -> memref<2x128xi32, #tpu.memory_space<hbm>>
    tpu.enqueue_dma source(%dma_start3A_30 : memref<2x128xi32, #tpu.memory_space<hbm>>) target(%arg9 : memref<2x128xi32, #tpu.memory_space<vmem>>) target_semaphore(%arg17 : memref<!tpu.dma_semaphore, #tpu.memory_space<semaphore_mem>>)
    tpu.enqueue_dma source(%arg6 : memref<200x128xf32, #tpu.memory_space<vmem_shared>>) target(%arg13 : memref<200x128xf32, #tpu.memory_space<vmem>>) target_semaphore(%arg21 : memref<!tpu.dma_semaphore, #tpu.memory_space<semaphore_mem>>)
    %dma_wait3A = arith.constant 0 : i32
    %dma_wait3A_31 = arith.constant 0 : i32
    %dma_wait3A_32 = arith.constant 0 : i32
    %dma_wait3A_33 = arith.constant 0 : i32
    %dma_wait3A_34 = tpu.memref_slice %arg2[%dma_wait3A, %dma_wait3A_31, %dma_wait3A_32, %dma_wait3A_33] : memref<32x128x2x128xi32, #tpu.memory_space<hbm>> -> memref<1x1x2x128xi32, #tpu.memory_space<hbm>>
    %dma_wait3A_35 = tpu.memref_squeeze %dma_wait3A_34 : memref<1x1x2x128xi32, #tpu.memory_space<hbm>> -> memref<2x128xi32, #tpu.memory_space<hbm>>
    %dma_wait3A_36 = arith.constant 0 : i32
    %dma_wait3A_37 = arith.constant 0 : i32
    %dma_wait3A_38 = tpu.memref_slice %arg2[%dma_wait3A, %dma_wait3A_31, %dma_wait3A_36, %dma_wait3A_37] : memref<32x128x2x128xi32, #tpu.memory_space<hbm>> -> memref<1x1x2x128xi32, #tpu.memory_space<hbm>>
    %dma_wait3A_39 = tpu.memref_squeeze %dma_wait3A_38 : memref<1x1x2x128xi32, #tpu.memory_space<hbm>> -> memref<2x128xi32, #tpu.memory_space<hbm>>
    tpu.wait_dma2 semaphore(%arg15 : memref<!tpu.dma_semaphore, #tpu.memory_space<semaphore_mem>>) src(%dma_wait3A_39 : memref<2x128xi32, #tpu.memory_space<hbm>>) dst(%arg7 : memref<2x128xi32, #tpu.memory_space<vmem>>)
    tpu.wait_dma2 semaphore(%arg19 : memref<!tpu.dma_semaphore, #tpu.memory_space<semaphore_mem>>) src(%arg6 : memref<200x128xf32, #tpu.memory_space<vmem_shared>>) dst(%arg11 : memref<200x128xf32, #tpu.memory_space<vmem>>)
    %dma_start3A_40 = arith.constant 0 : i32
    %dma_start3A_41 = arith.constant 0 : i32
    %dma_start3A_42 = arith.constant 0 : i32
    %dma_start3A_43 = tpu.memref_slice %arg11[%dma_start3A_41, %dma_start3A_42] : memref<200x128xf32, #tpu.memory_space<vmem>> -> memref<100x128xf32, #tpu.memory_space<vmem>>
    %dma_start3A_44 = arith.constant 0 : i32
    %dma_start3A_45 = tpu.memref_slice %arg7[%dma_start3A_40, %dma_start3A_44] : memref<2x128xi32, #tpu.memory_space<vmem>> -> memref<1x100xi32, #tpu.memory_space<vmem>>
    %dma_start3A_46 = tpu.memref_squeeze %dma_start3A_45 : memref<1x100xi32, #tpu.memory_space<vmem>> -> memref<100xi32, #tpu.memory_space<vmem>>
    %dma_start3A_47 = arith.constant 0 : i32
    %dma_start3A_48 = arith.constant 0 : i32
    %dma_start3A_49 = tpu.memref_slice %arg3[%dma_start3A_47, %dma_start3A_48] : memref<100000x128xf32, #tpu.memory_space<hbm>> -> memref<100000x128xf32, #tpu.memory_space<hbm>>
    tpu.enqueue_indirect_dma source(%dma_start3A_49 : memref<100000x128xf32, #tpu.memory_space<hbm>>) target(%dma_start3A_43 : memref<100x128xf32, #tpu.memory_space<vmem>>) offsets(%dma_start3A_46 : memref<100xi32, #tpu.memory_space<vmem>>) semaphore(%arg23 : memref<!tpu.dma_semaphore, #tpu.memory_space<semaphore_mem>>) {add = true}
    %dma_start3A_50 = arith.constant 1 : i32
    %dma_start3A_51 = arith.constant 100 : i32
    %dma_start3A_52 = arith.constant 0 : i32
    %dma_start3A_53 = tpu.memref_slice %arg11[%dma_start3A_51, %dma_start3A_52] : memref<200x128xf32, #tpu.memory_space<vmem>> -> memref<100x128xf32, #tpu.memory_space<vmem>>
    %dma_start3A_54 = arith.constant 0 : i32
    %dma_start3A_55 = tpu.memref_slice %arg7[%dma_start3A_50, %dma_start3A_54] : memref<2x128xi32, #tpu.memory_space<vmem>> -> memref<1x100xi32, #tpu.memory_space<vmem>>
    %dma_start3A_56 = tpu.memref_squeeze %dma_start3A_55 : memref<1x100xi32, #tpu.memory_space<vmem>> -> memref<100xi32, #tpu.memory_space<vmem>>
    %dma_start3A_57 = arith.constant 0 : i32
    %dma_start3A_58 = arith.constant 0 : i32
    %dma_start3A_59 = tpu.memref_slice %arg3[%dma_start3A_57, %dma_start3A_58] : memref<100000x128xf32, #tpu.memory_space<hbm>> -> memref<100000x128xf32, #tpu.memory_space<hbm>>
    tpu.enqueue_indirect_dma source(%dma_start3A_59 : memref<100000x128xf32, #tpu.memory_space<hbm>>) target(%dma_start3A_53 : memref<100x128xf32, #tpu.memory_space<vmem>>) offsets(%dma_start3A_56 : memref<100xi32, #tpu.memory_space<vmem>>) semaphore(%arg23 : memref<!tpu.dma_semaphore, #tpu.memory_space<semaphore_mem>>) {add = true}
    %scan3A = arith.constant 0 : i32
    %scan3A_60 = arith.constant 0 : i32
    %scan3A_61 = arith.constant 32 : i32
    %scan3A_62 = arith.addi %scan3A_60, %scan3A_61 : i32
    %scan3A_63 = arith.constant 1 : i32
    scf.for %scan3A_89 = %scan3A_60 to %scan3A_62 step %scan3A_63  : i32 {
      %mul3A_90 = arith.constant 4 : i32
      %mul3A_91 = arith.muli %scan3A_89, %mul3A_90 : i32
      %add3A_92 = arith.constant 0 : i32
      %add3A_93 = arith.addi %mul3A_91, %add3A_92 : i32
      %add3A_94 = arith.constant 4 : i32
      %add3A_95 = arith.addi %add3A_93, %add3A_94 : i32
      %sub3A = arith.constant 1 : i32
      %sub3A_96 = arith.subi %add3A_95, %sub3A : i32
      %lt3A = arith.constant 128 : i32
      %lt3A_97 = arith.cmpi slt, %sub3A_96, %lt3A : i32
      %convert_element_type3A_98 = arith.extui %lt3A_97 : i1 to i32
      %cond3A_99 = arith.constant 0 : i32
      %cond3A_100 = arith.cmpi ne, %convert_element_type3A_98, %cond3A_99 : i32
      scf.if %cond3A_100 {
        %gt3A = arith.constant 0 : i32
        %gt3A_276 = arith.cmpi sgt, %add3A_93, %gt3A : i32
        %convert_element_type3A_277 = arith.extui %gt3A_276 : i1 to i32
        %cond3A_278 = arith.constant 0 : i32
        %cond3A_279 = arith.cmpi ne, %convert_element_type3A_277, %cond3A_278 : i32
        scf.if %cond3A_279 {
          %dma_wait3A_292 = arith.constant 0 : i32
          %dma_wait3A_293 = arith.constant 0 : i32
          %dma_wait3A_294 = tpu.memref_slice %arg5[%dma_wait3A_292, %dma_wait3A_293] : memref<819200x128xf32, #tpu.memory_space<hbm>> -> memref<200x128xf32, #tpu.memory_space<hbm>>
          %dma_wait3A_295 = arith.constant 0 : i32
          %dma_wait3A_296 = arith.constant 0 : i32
          %dma_wait3A_297 = tpu.memref_slice %arg5[%dma_wait3A_295, %dma_wait3A_296] : memref<819200x128xf32, #tpu.memory_space<hbm>> -> memref<200x128xf32, #tpu.memory_space<hbm>>
          tpu.wait_dma2 semaphore(%arg30 : memref<!tpu.dma_semaphore, #tpu.memory_space<semaphore_mem>>) src(%arg14 : memref<200x128xf32, #tpu.memory_space<vmem>>) dst(%dma_wait3A_297 : memref<200x128xf32, #tpu.memory_space<hbm>>)
        } else {
        }
        %add3A_280 = arith.constant 4 : i32
        %add3A_281 = arith.addi %add3A_93, %add3A_280 : i32
        %sub3A_282 = arith.constant 1 : i32
        %sub3A_283 = arith.subi %add3A_281, %sub3A_282 : i32
        %dma_start3A_284 = arith.constant 0 : i32
        %dma_start3A_285 = arith.constant 0 : i32
        %dma_start3A_286 = tpu.memref_slice %arg2[%add3A, %sub3A_283, %dma_start3A_284, %dma_start3A_285] : memref<32x128x2x128xi32, #tpu.memory_space<hbm>> -> memref<1x1x2x128xi32, #tpu.memory_space<hbm>>
        %dma_start3A_287 = tpu.memref_squeeze %dma_start3A_286 : memref<1x1x2x128xi32, #tpu.memory_space<hbm>> -> memref<2x128xi32, #tpu.memory_space<hbm>>
        %dma_start3A_288 = arith.constant 0 : i32
        %dma_start3A_289 = arith.constant 0 : i32
        %dma_start3A_290 = tpu.memref_slice %arg2[%add3A, %sub3A_283, %dma_start3A_288, %dma_start3A_289] : memref<32x128x2x128xi32, #tpu.memory_space<hbm>> -> memref<1x1x2x128xi32, #tpu.memory_space<hbm>>
        %dma_start3A_291 = tpu.memref_squeeze %dma_start3A_290 : memref<1x1x2x128xi32, #tpu.memory_space<hbm>> -> memref<2x128xi32, #tpu.memory_space<hbm>>
        tpu.enqueue_dma source(%dma_start3A_291 : memref<2x128xi32, #tpu.memory_space<hbm>>) target(%arg10 : memref<2x128xi32, #tpu.memory_space<vmem>>) target_semaphore(%arg18 : memref<!tpu.dma_semaphore, #tpu.memory_space<semaphore_mem>>)
        tpu.enqueue_dma source(%arg6 : memref<200x128xf32, #tpu.memory_space<vmem_shared>>) target(%arg14 : memref<200x128xf32, #tpu.memory_space<vmem>>) target_semaphore(%arg22 : memref<!tpu.dma_semaphore, #tpu.memory_space<semaphore_mem>>)
      } else {
      }
      %add3A_101 = arith.constant 1 : i32
      %add3A_102 = arith.addi %add3A_93, %add3A_101 : i32
      %lt3A_103 = arith.constant 128 : i32
      %lt3A_104 = arith.cmpi slt, %add3A_102, %lt3A_103 : i32
      %convert_element_type3A_105 = arith.extui %lt3A_104 : i1 to i32
      %cond3A_106 = arith.constant 0 : i32
      %cond3A_107 = arith.cmpi ne, %convert_element_type3A_105, %cond3A_106 : i32
      scf.if %cond3A_107 {
        %dma_wait3A_276 = arith.constant 0 : i32
        %dma_wait3A_277 = arith.constant 0 : i32
        %dma_wait3A_278 = arith.constant 0 : i32
        %dma_wait3A_279 = arith.constant 0 : i32
        %dma_wait3A_280 = tpu.memref_slice %arg2[%dma_wait3A_276, %dma_wait3A_277, %dma_wait3A_278, %dma_wait3A_279] : memref<32x128x2x128xi32, #tpu.memory_space<hbm>> -> memref<1x1x2x128xi32, #tpu.memory_space<hbm>>
        %dma_wait3A_281 = tpu.memref_squeeze %dma_wait3A_280 : memref<1x1x2x128xi32, #tpu.memory_space<hbm>> -> memref<2x128xi32, #tpu.memory_space<hbm>>
        %dma_wait3A_282 = arith.constant 0 : i32
        %dma_wait3A_283 = arith.constant 0 : i32
        %dma_wait3A_284 = tpu.memref_slice %arg2[%dma_wait3A_276, %dma_wait3A_277, %dma_wait3A_282, %dma_wait3A_283] : memref<32x128x2x128xi32, #tpu.memory_space<hbm>> -> memref<1x1x2x128xi32, #tpu.memory_space<hbm>>
        %dma_wait3A_285 = tpu.memref_squeeze %dma_wait3A_284 : memref<1x1x2x128xi32, #tpu.memory_space<hbm>> -> memref<2x128xi32, #tpu.memory_space<hbm>>
        tpu.wait_dma2 semaphore(%arg16 : memref<!tpu.dma_semaphore, #tpu.memory_space<semaphore_mem>>) src(%dma_wait3A_285 : memref<2x128xi32, #tpu.memory_space<hbm>>) dst(%arg8 : memref<2x128xi32, #tpu.memory_space<vmem>>)
        tpu.wait_dma2 semaphore(%arg20 : memref<!tpu.dma_semaphore, #tpu.memory_space<semaphore_mem>>) src(%arg6 : memref<200x128xf32, #tpu.memory_space<vmem_shared>>) dst(%arg12 : memref<200x128xf32, #tpu.memory_space<vmem>>)
        %add3A_286 = arith.constant 1 : i32
        %add3A_287 = arith.addi %add3A_93, %add3A_286 : i32
        %dma_start3A_288 = arith.constant 0 : i32
        %dma_start3A_289 = arith.constant 0 : i32
        %dma_start3A_290 = arith.constant 0 : i32
        %dma_start3A_291 = tpu.memref_slice %arg12[%dma_start3A_289, %dma_start3A_290] : memref<200x128xf32, #tpu.memory_space<vmem>> -> memref<100x128xf32, #tpu.memory_space<vmem>>
        %dma_start3A_292 = arith.constant 0 : i32
        %dma_start3A_293 = tpu.memref_slice %arg8[%dma_start3A_288, %dma_start3A_292] : memref<2x128xi32, #tpu.memory_space<vmem>> -> memref<1x100xi32, #tpu.memory_space<vmem>>
        %dma_start3A_294 = tpu.memref_squeeze %dma_start3A_293 : memref<1x100xi32, #tpu.memory_space<vmem>> -> memref<100xi32, #tpu.memory_space<vmem>>
        %dma_start3A_295 = arith.constant 0 : i32
        %dma_start3A_296 = arith.constant 0 : i32
        %dma_start3A_297 = tpu.memref_slice %arg3[%dma_start3A_295, %dma_start3A_296] : memref<100000x128xf32, #tpu.memory_space<hbm>> -> memref<100000x128xf32, #tpu.memory_space<hbm>>
        tpu.enqueue_indirect_dma source(%dma_start3A_297 : memref<100000x128xf32, #tpu.memory_space<hbm>>) target(%dma_start3A_291 : memref<100x128xf32, #tpu.memory_space<vmem>>) offsets(%dma_start3A_294 : memref<100xi32, #tpu.memory_space<vmem>>) semaphore(%arg24 : memref<!tpu.dma_semaphore, #tpu.memory_space<semaphore_mem>>) {add = true}
        %dma_start3A_298 = arith.constant 1 : i32
        %dma_start3A_299 = arith.constant 100 : i32
        %dma_start3A_300 = arith.constant 0 : i32
        %dma_start3A_301 = tpu.memref_slice %arg12[%dma_start3A_299, %dma_start3A_300] : memref<200x128xf32, #tpu.memory_space<vmem>> -> memref<100x128xf32, #tpu.memory_space<vmem>>
        %dma_start3A_302 = arith.constant 0 : i32
        %dma_start3A_303 = tpu.memref_slice %arg8[%dma_start3A_298, %dma_start3A_302] : memref<2x128xi32, #tpu.memory_space<vmem>> -> memref<1x100xi32, #tpu.memory_space<vmem>>
        %dma_start3A_304 = tpu.memref_squeeze %dma_start3A_303 : memref<1x100xi32, #tpu.memory_space<vmem>> -> memref<100xi32, #tpu.memory_space<vmem>>
        %dma_start3A_305 = arith.constant 0 : i32
        %dma_start3A_306 = arith.constant 0 : i32
        %dma_start3A_307 = tpu.memref_slice %arg3[%dma_start3A_305, %dma_start3A_306] : memref<100000x128xf32, #tpu.memory_space<hbm>> -> memref<100000x128xf32, #tpu.memory_space<hbm>>
        tpu.enqueue_indirect_dma source(%dma_start3A_307 : memref<100000x128xf32, #tpu.memory_space<hbm>>) target(%dma_start3A_301 : memref<100x128xf32, #tpu.memory_space<vmem>>) offsets(%dma_start3A_304 : memref<100xi32, #tpu.memory_space<vmem>>) semaphore(%arg24 : memref<!tpu.dma_semaphore, #tpu.memory_space<semaphore_mem>>) {add = true}
      } else {
      }
      %dma_wait3A_108 = arith.constant 0 : i32
      %dma_wait3A_109 = arith.constant 0 : i32
      %dma_wait3A_110 = arith.constant 0 : i32
      %dma_wait3A_111 = tpu.memref_slice %arg11[%dma_wait3A_109, %dma_wait3A_110] : memref<200x128xf32, #tpu.memory_space<vmem>> -> memref<100x128xf32, #tpu.memory_space<vmem>>
      %dma_wait3A_112 = arith.constant 0 : i32
      %dma_wait3A_113 = tpu.memref_slice %arg7[%dma_wait3A_108, %dma_wait3A_112] : memref<2x128xi32, #tpu.memory_space<vmem>> -> memref<1x100xi32, #tpu.memory_space<vmem>>
      %dma_wait3A_114 = tpu.memref_squeeze %dma_wait3A_113 : memref<1x100xi32, #tpu.memory_space<vmem>> -> memref<100xi32, #tpu.memory_space<vmem>>
      %dma_wait3A_115 = arith.constant 0 : i32
      %dma_wait3A_116 = arith.constant 0 : i32
      %dma_wait3A_117 = tpu.memref_slice %arg3[%dma_wait3A_115, %dma_wait3A_116] : memref<100000x128xf32, #tpu.memory_space<hbm>> -> memref<100000x128xf32, #tpu.memory_space<hbm>>
      tpu.wait_indirect_dma semaphore(%arg23 : memref<!tpu.dma_semaphore, #tpu.memory_space<semaphore_mem>>) src(%dma_wait3A_117 : memref<100000x128xf32, #tpu.memory_space<hbm>>) dst(%dma_wait3A_111 : memref<100x128xf32, #tpu.memory_space<vmem>>)
      %dma_wait3A_118 = arith.constant 0 : i32
      %dma_wait3A_119 = arith.constant 100 : i32
      %dma_wait3A_120 = arith.constant 0 : i32
      %dma_wait3A_121 = tpu.memref_slice %arg11[%dma_wait3A_119, %dma_wait3A_120] : memref<200x128xf32, #tpu.memory_space<vmem>> -> memref<100x128xf32, #tpu.memory_space<vmem>>
      %dma_wait3A_122 = arith.constant 0 : i32
      %dma_wait3A_123 = tpu.memref_slice %arg7[%dma_wait3A_118, %dma_wait3A_122] : memref<2x128xi32, #tpu.memory_space<vmem>> -> memref<1x100xi32, #tpu.memory_space<vmem>>
      %dma_wait3A_124 = tpu.memref_squeeze %dma_wait3A_123 : memref<1x100xi32, #tpu.memory_space<vmem>> -> memref<100xi32, #tpu.memory_space<vmem>>
      %dma_wait3A_125 = arith.constant 0 : i32
      %dma_wait3A_126 = arith.constant 0 : i32
      %dma_wait3A_127 = tpu.memref_slice %arg3[%dma_wait3A_125, %dma_wait3A_126] : memref<100000x128xf32, #tpu.memory_space<hbm>> -> memref<100000x128xf32, #tpu.memory_space<hbm>>
      tpu.wait_indirect_dma semaphore(%arg23 : memref<!tpu.dma_semaphore, #tpu.memory_space<semaphore_mem>>) src(%dma_wait3A_127 : memref<100000x128xf32, #tpu.memory_space<hbm>>) dst(%dma_wait3A_121 : memref<100x128xf32, #tpu.memory_space<vmem>>)
      %mul3A_128 = arith.constant 200 : i32
      %mul3A_129 = arith.muli %add3A_93, %mul3A_128 : i32
      %add3A_130 = arith.addi %mul3A_2, %mul3A_129 : i32
      %dma_start3A_131 = arith.constant 0 : i32
      %dma_start3A_132 = tpu.memref_slice %arg5[%add3A_130, %dma_start3A_131] : memref<819200x128xf32, #tpu.memory_space<hbm>> -> memref<200x128xf32, #tpu.memory_space<hbm>>
      %dma_start3A_133 = arith.constant 0 : i32
      %dma_start3A_134 = tpu.memref_slice %arg5[%add3A_130, %dma_start3A_133] : memref<819200x128xf32, #tpu.memory_space<hbm>> -> memref<200x128xf32, #tpu.memory_space<hbm>>
      tpu.enqueue_dma source(%arg11 : memref<200x128xf32, #tpu.memory_space<vmem>>) target(%dma_start3A_134 : memref<200x128xf32, #tpu.memory_space<hbm>>) target_semaphore(%arg27 : memref<!tpu.dma_semaphore, #tpu.memory_space<semaphore_mem>>)
      %mul3A_135 = arith.constant 4 : i32
      %mul3A_136 = arith.muli %scan3A_89, %mul3A_135 : i32
      %add3A_137 = arith.constant 1 : i32
      %add3A_138 = arith.addi %mul3A_136, %add3A_137 : i32
      %add3A_139 = arith.constant 4 : i32
      %add3A_140 = arith.addi %add3A_138, %add3A_139 : i32
      %sub3A_141 = arith.constant 1 : i32
      %sub3A_142 = arith.subi %add3A_140, %sub3A_141 : i32
      %lt3A_143 = arith.constant 128 : i32
      %lt3A_144 = arith.cmpi slt, %sub3A_142, %lt3A_143 : i32
      %convert_element_type3A_145 = arith.extui %lt3A_144 : i1 to i32
      %cond3A_146 = arith.constant 0 : i32
      %cond3A_147 = arith.cmpi ne, %convert_element_type3A_145, %cond3A_146 : i32
      scf.if %cond3A_147 {
        %gt3A = arith.constant 0 : i32
        %gt3A_276 = arith.cmpi sgt, %add3A_138, %gt3A : i32
        %convert_element_type3A_277 = arith.extui %gt3A_276 : i1 to i32
        %cond3A_278 = arith.constant 0 : i32
        %cond3A_279 = arith.cmpi ne, %convert_element_type3A_277, %cond3A_278 : i32
        scf.if %cond3A_279 {
          %dma_wait3A_292 = arith.constant 0 : i32
          %dma_wait3A_293 = arith.constant 0 : i32
          %dma_wait3A_294 = tpu.memref_slice %arg5[%dma_wait3A_292, %dma_wait3A_293] : memref<819200x128xf32, #tpu.memory_space<hbm>> -> memref<200x128xf32, #tpu.memory_space<hbm>>
          %dma_wait3A_295 = arith.constant 0 : i32
          %dma_wait3A_296 = arith.constant 0 : i32
          %dma_wait3A_297 = tpu.memref_slice %arg5[%dma_wait3A_295, %dma_wait3A_296] : memref<819200x128xf32, #tpu.memory_space<hbm>> -> memref<200x128xf32, #tpu.memory_space<hbm>>
          tpu.wait_dma2 semaphore(%arg27 : memref<!tpu.dma_semaphore, #tpu.memory_space<semaphore_mem>>) src(%arg11 : memref<200x128xf32, #tpu.memory_space<vmem>>) dst(%dma_wait3A_297 : memref<200x128xf32, #tpu.memory_space<hbm>>)
        } else {
        }
        %add3A_280 = arith.constant 4 : i32
        %add3A_281 = arith.addi %add3A_138, %add3A_280 : i32
        %sub3A_282 = arith.constant 1 : i32
        %sub3A_283 = arith.subi %add3A_281, %sub3A_282 : i32
        %dma_start3A_284 = arith.constant 0 : i32
        %dma_start3A_285 = arith.constant 0 : i32
        %dma_start3A_286 = tpu.memref_slice %arg2[%add3A, %sub3A_283, %dma_start3A_284, %dma_start3A_285] : memref<32x128x2x128xi32, #tpu.memory_space<hbm>> -> memref<1x1x2x128xi32, #tpu.memory_space<hbm>>
        %dma_start3A_287 = tpu.memref_squeeze %dma_start3A_286 : memref<1x1x2x128xi32, #tpu.memory_space<hbm>> -> memref<2x128xi32, #tpu.memory_space<hbm>>
        %dma_start3A_288 = arith.constant 0 : i32
        %dma_start3A_289 = arith.constant 0 : i32
        %dma_start3A_290 = tpu.memref_slice %arg2[%add3A, %sub3A_283, %dma_start3A_288, %dma_start3A_289] : memref<32x128x2x128xi32, #tpu.memory_space<hbm>> -> memref<1x1x2x128xi32, #tpu.memory_space<hbm>>
        %dma_start3A_291 = tpu.memref_squeeze %dma_start3A_290 : memref<1x1x2x128xi32, #tpu.memory_space<hbm>> -> memref<2x128xi32, #tpu.memory_space<hbm>>
        tpu.enqueue_dma source(%dma_start3A_291 : memref<2x128xi32, #tpu.memory_space<hbm>>) target(%arg7 : memref<2x128xi32, #tpu.memory_space<vmem>>) target_semaphore(%arg15 : memref<!tpu.dma_semaphore, #tpu.memory_space<semaphore_mem>>)
        tpu.enqueue_dma source(%arg6 : memref<200x128xf32, #tpu.memory_space<vmem_shared>>) target(%arg11 : memref<200x128xf32, #tpu.memory_space<vmem>>) target_semaphore(%arg19 : memref<!tpu.dma_semaphore, #tpu.memory_space<semaphore_mem>>)
      } else {
      }
      %add3A_148 = arith.constant 1 : i32
      %add3A_149 = arith.addi %add3A_138, %add3A_148 : i32
      %lt3A_150 = arith.constant 128 : i32
      %lt3A_151 = arith.cmpi slt, %add3A_149, %lt3A_150 : i32
      %convert_element_type3A_152 = arith.extui %lt3A_151 : i1 to i32
      %cond3A_153 = arith.constant 0 : i32
      %cond3A_154 = arith.cmpi ne, %convert_element_type3A_152, %cond3A_153 : i32
      scf.if %cond3A_154 {
        %dma_wait3A_276 = arith.constant 0 : i32
        %dma_wait3A_277 = arith.constant 0 : i32
        %dma_wait3A_278 = arith.constant 0 : i32
        %dma_wait3A_279 = arith.constant 0 : i32
        %dma_wait3A_280 = tpu.memref_slice %arg2[%dma_wait3A_276, %dma_wait3A_277, %dma_wait3A_278, %dma_wait3A_279] : memref<32x128x2x128xi32, #tpu.memory_space<hbm>> -> memref<1x1x2x128xi32, #tpu.memory_space<hbm>>
        %dma_wait3A_281 = tpu.memref_squeeze %dma_wait3A_280 : memref<1x1x2x128xi32, #tpu.memory_space<hbm>> -> memref<2x128xi32, #tpu.memory_space<hbm>>
        %dma_wait3A_282 = arith.constant 0 : i32
        %dma_wait3A_283 = arith.constant 0 : i32
        %dma_wait3A_284 = tpu.memref_slice %arg2[%dma_wait3A_276, %dma_wait3A_277, %dma_wait3A_282, %dma_wait3A_283] : memref<32x128x2x128xi32, #tpu.memory_space<hbm>> -> memref<1x1x2x128xi32, #tpu.memory_space<hbm>>
        %dma_wait3A_285 = tpu.memref_squeeze %dma_wait3A_284 : memref<1x1x2x128xi32, #tpu.memory_space<hbm>> -> memref<2x128xi32, #tpu.memory_space<hbm>>
        tpu.wait_dma2 semaphore(%arg17 : memref<!tpu.dma_semaphore, #tpu.memory_space<semaphore_mem>>) src(%dma_wait3A_285 : memref<2x128xi32, #tpu.memory_space<hbm>>) dst(%arg9 : memref<2x128xi32, #tpu.memory_space<vmem>>)
        tpu.wait_dma2 semaphore(%arg21 : memref<!tpu.dma_semaphore, #tpu.memory_space<semaphore_mem>>) src(%arg6 : memref<200x128xf32, #tpu.memory_space<vmem_shared>>) dst(%arg13 : memref<200x128xf32, #tpu.memory_space<vmem>>)
        %add3A_286 = arith.constant 1 : i32
        %add3A_287 = arith.addi %add3A_138, %add3A_286 : i32
        %dma_start3A_288 = arith.constant 0 : i32
        %dma_start3A_289 = arith.constant 0 : i32
        %dma_start3A_290 = arith.constant 0 : i32
        %dma_start3A_291 = tpu.memref_slice %arg13[%dma_start3A_289, %dma_start3A_290] : memref<200x128xf32, #tpu.memory_space<vmem>> -> memref<100x128xf32, #tpu.memory_space<vmem>>
        %dma_start3A_292 = arith.constant 0 : i32
        %dma_start3A_293 = tpu.memref_slice %arg9[%dma_start3A_288, %dma_start3A_292] : memref<2x128xi32, #tpu.memory_space<vmem>> -> memref<1x100xi32, #tpu.memory_space<vmem>>
        %dma_start3A_294 = tpu.memref_squeeze %dma_start3A_293 : memref<1x100xi32, #tpu.memory_space<vmem>> -> memref<100xi32, #tpu.memory_space<vmem>>
        %dma_start3A_295 = arith.constant 0 : i32
        %dma_start3A_296 = arith.constant 0 : i32
        %dma_start3A_297 = tpu.memref_slice %arg3[%dma_start3A_295, %dma_start3A_296] : memref<100000x128xf32, #tpu.memory_space<hbm>> -> memref<100000x128xf32, #tpu.memory_space<hbm>>
        tpu.enqueue_indirect_dma source(%dma_start3A_297 : memref<100000x128xf32, #tpu.memory_space<hbm>>) target(%dma_start3A_291 : memref<100x128xf32, #tpu.memory_space<vmem>>) offsets(%dma_start3A_294 : memref<100xi32, #tpu.memory_space<vmem>>) semaphore(%arg25 : memref<!tpu.dma_semaphore, #tpu.memory_space<semaphore_mem>>) {add = true}
        %dma_start3A_298 = arith.constant 1 : i32
        %dma_start3A_299 = arith.constant 100 : i32
        %dma_start3A_300 = arith.constant 0 : i32
        %dma_start3A_301 = tpu.memref_slice %arg13[%dma_start3A_299, %dma_start3A_300] : memref<200x128xf32, #tpu.memory_space<vmem>> -> memref<100x128xf32, #tpu.memory_space<vmem>>
        %dma_start3A_302 = arith.constant 0 : i32
        %dma_start3A_303 = tpu.memref_slice %arg9[%dma_start3A_298, %dma_start3A_302] : memref<2x128xi32, #tpu.memory_space<vmem>> -> memref<1x100xi32, #tpu.memory_space<vmem>>
        %dma_start3A_304 = tpu.memref_squeeze %dma_start3A_303 : memref<1x100xi32, #tpu.memory_space<vmem>> -> memref<100xi32, #tpu.memory_space<vmem>>
        %dma_start3A_305 = arith.constant 0 : i32
        %dma_start3A_306 = arith.constant 0 : i32
        %dma_start3A_307 = tpu.memref_slice %arg3[%dma_start3A_305, %dma_start3A_306] : memref<100000x128xf32, #tpu.memory_space<hbm>> -> memref<100000x128xf32, #tpu.memory_space<hbm>>
        tpu.enqueue_indirect_dma source(%dma_start3A_307 : memref<100000x128xf32, #tpu.memory_space<hbm>>) target(%dma_start3A_301 : memref<100x128xf32, #tpu.memory_space<vmem>>) offsets(%dma_start3A_304 : memref<100xi32, #tpu.memory_space<vmem>>) semaphore(%arg25 : memref<!tpu.dma_semaphore, #tpu.memory_space<semaphore_mem>>) {add = true}
      } else {
      }
      %dma_wait3A_155 = arith.constant 0 : i32
      %dma_wait3A_156 = arith.constant 0 : i32
      %dma_wait3A_157 = arith.constant 0 : i32
      %dma_wait3A_158 = tpu.memref_slice %arg12[%dma_wait3A_156, %dma_wait3A_157] : memref<200x128xf32, #tpu.memory_space<vmem>> -> memref<100x128xf32, #tpu.memory_space<vmem>>
      %dma_wait3A_159 = arith.constant 0 : i32
      %dma_wait3A_160 = tpu.memref_slice %arg8[%dma_wait3A_155, %dma_wait3A_159] : memref<2x128xi32, #tpu.memory_space<vmem>> -> memref<1x100xi32, #tpu.memory_space<vmem>>
      %dma_wait3A_161 = tpu.memref_squeeze %dma_wait3A_160 : memref<1x100xi32, #tpu.memory_space<vmem>> -> memref<100xi32, #tpu.memory_space<vmem>>
      %dma_wait3A_162 = arith.constant 0 : i32
      %dma_wait3A_163 = arith.constant 0 : i32
      %dma_wait3A_164 = tpu.memref_slice %arg3[%dma_wait3A_162, %dma_wait3A_163] : memref<100000x128xf32, #tpu.memory_space<hbm>> -> memref<100000x128xf32, #tpu.memory_space<hbm>>
      tpu.wait_indirect_dma semaphore(%arg24 : memref<!tpu.dma_semaphore, #tpu.memory_space<semaphore_mem>>) src(%dma_wait3A_164 : memref<100000x128xf32, #tpu.memory_space<hbm>>) dst(%dma_wait3A_158 : memref<100x128xf32, #tpu.memory_space<vmem>>)
      %dma_wait3A_165 = arith.constant 0 : i32
      %dma_wait3A_166 = arith.constant 100 : i32
      %dma_wait3A_167 = arith.constant 0 : i32
      %dma_wait3A_168 = tpu.memref_slice %arg12[%dma_wait3A_166, %dma_wait3A_167] : memref<200x128xf32, #tpu.memory_space<vmem>> -> memref<100x128xf32, #tpu.memory_space<vmem>>
      %dma_wait3A_169 = arith.constant 0 : i32
      %dma_wait3A_170 = tpu.memref_slice %arg8[%dma_wait3A_165, %dma_wait3A_169] : memref<2x128xi32, #tpu.memory_space<vmem>> -> memref<1x100xi32, #tpu.memory_space<vmem>>
      %dma_wait3A_171 = tpu.memref_squeeze %dma_wait3A_170 : memref<1x100xi32, #tpu.memory_space<vmem>> -> memref<100xi32, #tpu.memory_space<vmem>>
      %dma_wait3A_172 = arith.constant 0 : i32
      %dma_wait3A_173 = arith.constant 0 : i32
      %dma_wait3A_174 = tpu.memref_slice %arg3[%dma_wait3A_172, %dma_wait3A_173] : memref<100000x128xf32, #tpu.memory_space<hbm>> -> memref<100000x128xf32, #tpu.memory_space<hbm>>
      tpu.wait_indirect_dma semaphore(%arg24 : memref<!tpu.dma_semaphore, #tpu.memory_space<semaphore_mem>>) src(%dma_wait3A_174 : memref<100000x128xf32, #tpu.memory_space<hbm>>) dst(%dma_wait3A_168 : memref<100x128xf32, #tpu.memory_space<vmem>>)
      %mul3A_175 = arith.constant 200 : i32
      %mul3A_176 = arith.muli %add3A_138, %mul3A_175 : i32
      %add3A_177 = arith.addi %mul3A_2, %mul3A_176 : i32
      %dma_start3A_178 = arith.constant 0 : i32
      %dma_start3A_179 = tpu.memref_slice %arg5[%add3A_177, %dma_start3A_178] : memref<819200x128xf32, #tpu.memory_space<hbm>> -> memref<200x128xf32, #tpu.memory_space<hbm>>
      %dma_start3A_180 = arith.constant 0 : i32
      %dma_start3A_181 = tpu.memref_slice %arg5[%add3A_177, %dma_start3A_180] : memref<819200x128xf32, #tpu.memory_space<hbm>> -> memref<200x128xf32, #tpu.memory_space<hbm>>
      tpu.enqueue_dma source(%arg12 : memref<200x128xf32, #tpu.memory_space<vmem>>) target(%dma_start3A_181 : memref<200x128xf32, #tpu.memory_space<hbm>>) target_semaphore(%arg28 : memref<!tpu.dma_semaphore, #tpu.memory_space<semaphore_mem>>)
      %mul3A_182 = arith.constant 4 : i32
      %mul3A_183 = arith.muli %scan3A_89, %mul3A_182 : i32
      %add3A_184 = arith.constant 2 : i32
      %add3A_185 = arith.addi %mul3A_183, %add3A_184 : i32
      %add3A_186 = arith.constant 4 : i32
      %add3A_187 = arith.addi %add3A_185, %add3A_186 : i32
      %sub3A_188 = arith.constant 1 : i32
      %sub3A_189 = arith.subi %add3A_187, %sub3A_188 : i32
      %lt3A_190 = arith.constant 128 : i32
      %lt3A_191 = arith.cmpi slt, %sub3A_189, %lt3A_190 : i32
      %convert_element_type3A_192 = arith.extui %lt3A_191 : i1 to i32
      %cond3A_193 = arith.constant 0 : i32
      %cond3A_194 = arith.cmpi ne, %convert_element_type3A_192, %cond3A_193 : i32
      scf.if %cond3A_194 {
        %gt3A = arith.constant 0 : i32
        %gt3A_276 = arith.cmpi sgt, %add3A_185, %gt3A : i32
        %convert_element_type3A_277 = arith.extui %gt3A_276 : i1 to i32
        %cond3A_278 = arith.constant 0 : i32
        %cond3A_279 = arith.cmpi ne, %convert_element_type3A_277, %cond3A_278 : i32
        scf.if %cond3A_279 {
          %dma_wait3A_292 = arith.constant 0 : i32
          %dma_wait3A_293 = arith.constant 0 : i32
          %dma_wait3A_294 = tpu.memref_slice %arg5[%dma_wait3A_292, %dma_wait3A_293] : memref<819200x128xf32, #tpu.memory_space<hbm>> -> memref<200x128xf32, #tpu.memory_space<hbm>>
          %dma_wait3A_295 = arith.constant 0 : i32
          %dma_wait3A_296 = arith.constant 0 : i32
          %dma_wait3A_297 = tpu.memref_slice %arg5[%dma_wait3A_295, %dma_wait3A_296] : memref<819200x128xf32, #tpu.memory_space<hbm>> -> memref<200x128xf32, #tpu.memory_space<hbm>>
          tpu.wait_dma2 semaphore(%arg28 : memref<!tpu.dma_semaphore, #tpu.memory_space<semaphore_mem>>) src(%arg12 : memref<200x128xf32, #tpu.memory_space<vmem>>) dst(%dma_wait3A_297 : memref<200x128xf32, #tpu.memory_space<hbm>>)
        } else {
        }
        %add3A_280 = arith.constant 4 : i32
        %add3A_281 = arith.addi %add3A_185, %add3A_280 : i32
        %sub3A_282 = arith.constant 1 : i32
        %sub3A_283 = arith.subi %add3A_281, %sub3A_282 : i32
        %dma_start3A_284 = arith.constant 0 : i32
        %dma_start3A_285 = arith.constant 0 : i32
        %dma_start3A_286 = tpu.memref_slice %arg2[%add3A, %sub3A_283, %dma_start3A_284, %dma_start3A_285] : memref<32x128x2x128xi32, #tpu.memory_space<hbm>> -> memref<1x1x2x128xi32, #tpu.memory_space<hbm>>
        %dma_start3A_287 = tpu.memref_squeeze %dma_start3A_286 : memref<1x1x2x128xi32, #tpu.memory_space<hbm>> -> memref<2x128xi32, #tpu.memory_space<hbm>>
        %dma_start3A_288 = arith.constant 0 : i32
        %dma_start3A_289 = arith.constant 0 : i32
        %dma_start3A_290 = tpu.memref_slice %arg2[%add3A, %sub3A_283, %dma_start3A_288, %dma_start3A_289] : memref<32x128x2x128xi32, #tpu.memory_space<hbm>> -> memref<1x1x2x128xi32, #tpu.memory_space<hbm>>
        %dma_start3A_291 = tpu.memref_squeeze %dma_start3A_290 : memref<1x1x2x128xi32, #tpu.memory_space<hbm>> -> memref<2x128xi32, #tpu.memory_space<hbm>>
        tpu.enqueue_dma source(%dma_start3A_291 : memref<2x128xi32, #tpu.memory_space<hbm>>) target(%arg8 : memref<2x128xi32, #tpu.memory_space<vmem>>) target_semaphore(%arg16 : memref<!tpu.dma_semaphore, #tpu.memory_space<semaphore_mem>>)
        tpu.enqueue_dma source(%arg6 : memref<200x128xf32, #tpu.memory_space<vmem_shared>>) target(%arg12 : memref<200x128xf32, #tpu.memory_space<vmem>>) target_semaphore(%arg20 : memref<!tpu.dma_semaphore, #tpu.memory_space<semaphore_mem>>)
      } else {
      }
      %add3A_195 = arith.constant 1 : i32
      %add3A_196 = arith.addi %add3A_185, %add3A_195 : i32
      %lt3A_197 = arith.constant 128 : i32
      %lt3A_198 = arith.cmpi slt, %add3A_196, %lt3A_197 : i32
      %convert_element_type3A_199 = arith.extui %lt3A_198 : i1 to i32
      %cond3A_200 = arith.constant 0 : i32
      %cond3A_201 = arith.cmpi ne, %convert_element_type3A_199, %cond3A_200 : i32
      scf.if %cond3A_201 {
        %dma_wait3A_276 = arith.constant 0 : i32
        %dma_wait3A_277 = arith.constant 0 : i32
        %dma_wait3A_278 = arith.constant 0 : i32
        %dma_wait3A_279 = arith.constant 0 : i32
        %dma_wait3A_280 = tpu.memref_slice %arg2[%dma_wait3A_276, %dma_wait3A_277, %dma_wait3A_278, %dma_wait3A_279] : memref<32x128x2x128xi32, #tpu.memory_space<hbm>> -> memref<1x1x2x128xi32, #tpu.memory_space<hbm>>
        %dma_wait3A_281 = tpu.memref_squeeze %dma_wait3A_280 : memref<1x1x2x128xi32, #tpu.memory_space<hbm>> -> memref<2x128xi32, #tpu.memory_space<hbm>>
        %dma_wait3A_282 = arith.constant 0 : i32
        %dma_wait3A_283 = arith.constant 0 : i32
        %dma_wait3A_284 = tpu.memref_slice %arg2[%dma_wait3A_276, %dma_wait3A_277, %dma_wait3A_282, %dma_wait3A_283] : memref<32x128x2x128xi32, #tpu.memory_space<hbm>> -> memref<1x1x2x128xi32, #tpu.memory_space<hbm>>
        %dma_wait3A_285 = tpu.memref_squeeze %dma_wait3A_284 : memref<1x1x2x128xi32, #tpu.memory_space<hbm>> -> memref<2x128xi32, #tpu.memory_space<hbm>>
        tpu.wait_dma2 semaphore(%arg18 : memref<!tpu.dma_semaphore, #tpu.memory_space<semaphore_mem>>) src(%dma_wait3A_285 : memref<2x128xi32, #tpu.memory_space<hbm>>) dst(%arg10 : memref<2x128xi32, #tpu.memory_space<vmem>>)
        tpu.wait_dma2 semaphore(%arg22 : memref<!tpu.dma_semaphore, #tpu.memory_space<semaphore_mem>>) src(%arg6 : memref<200x128xf32, #tpu.memory_space<vmem_shared>>) dst(%arg14 : memref<200x128xf32, #tpu.memory_space<vmem>>)
        %add3A_286 = arith.constant 1 : i32
        %add3A_287 = arith.addi %add3A_185, %add3A_286 : i32
        %dma_start3A_288 = arith.constant 0 : i32
        %dma_start3A_289 = arith.constant 0 : i32
        %dma_start3A_290 = arith.constant 0 : i32
        %dma_start3A_291 = tpu.memref_slice %arg14[%dma_start3A_289, %dma_start3A_290] : memref<200x128xf32, #tpu.memory_space<vmem>> -> memref<100x128xf32, #tpu.memory_space<vmem>>
        %dma_start3A_292 = arith.constant 0 : i32
        %dma_start3A_293 = tpu.memref_slice %arg10[%dma_start3A_288, %dma_start3A_292] : memref<2x128xi32, #tpu.memory_space<vmem>> -> memref<1x100xi32, #tpu.memory_space<vmem>>
        %dma_start3A_294 = tpu.memref_squeeze %dma_start3A_293 : memref<1x100xi32, #tpu.memory_space<vmem>> -> memref<100xi32, #tpu.memory_space<vmem>>
        %dma_start3A_295 = arith.constant 0 : i32
        %dma_start3A_296 = arith.constant 0 : i32
        %dma_start3A_297 = tpu.memref_slice %arg3[%dma_start3A_295, %dma_start3A_296] : memref<100000x128xf32, #tpu.memory_space<hbm>> -> memref<100000x128xf32, #tpu.memory_space<hbm>>
        tpu.enqueue_indirect_dma source(%dma_start3A_297 : memref<100000x128xf32, #tpu.memory_space<hbm>>) target(%dma_start3A_291 : memref<100x128xf32, #tpu.memory_space<vmem>>) offsets(%dma_start3A_294 : memref<100xi32, #tpu.memory_space<vmem>>) semaphore(%arg26 : memref<!tpu.dma_semaphore, #tpu.memory_space<semaphore_mem>>) {add = true}
        %dma_start3A_298 = arith.constant 1 : i32
        %dma_start3A_299 = arith.constant 100 : i32
        %dma_start3A_300 = arith.constant 0 : i32
        %dma_start3A_301 = tpu.memref_slice %arg14[%dma_start3A_299, %dma_start3A_300] : memref<200x128xf32, #tpu.memory_space<vmem>> -> memref<100x128xf32, #tpu.memory_space<vmem>>
        %dma_start3A_302 = arith.constant 0 : i32
        %dma_start3A_303 = tpu.memref_slice %arg10[%dma_start3A_298, %dma_start3A_302] : memref<2x128xi32, #tpu.memory_space<vmem>> -> memref<1x100xi32, #tpu.memory_space<vmem>>
        %dma_start3A_304 = tpu.memref_squeeze %dma_start3A_303 : memref<1x100xi32, #tpu.memory_space<vmem>> -> memref<100xi32, #tpu.memory_space<vmem>>
        %dma_start3A_305 = arith.constant 0 : i32
        %dma_start3A_306 = arith.constant 0 : i32
        %dma_start3A_307 = tpu.memref_slice %arg3[%dma_start3A_305, %dma_start3A_306] : memref<100000x128xf32, #tpu.memory_space<hbm>> -> memref<100000x128xf32, #tpu.memory_space<hbm>>
        tpu.enqueue_indirect_dma source(%dma_start3A_307 : memref<100000x128xf32, #tpu.memory_space<hbm>>) target(%dma_start3A_301 : memref<100x128xf32, #tpu.memory_space<vmem>>) offsets(%dma_start3A_304 : memref<100xi32, #tpu.memory_space<vmem>>) semaphore(%arg26 : memref<!tpu.dma_semaphore, #tpu.memory_space<semaphore_mem>>) {add = true}
      } else {
      }
      %dma_wait3A_202 = arith.constant 0 : i32
      %dma_wait3A_203 = arith.constant 0 : i32
      %dma_wait3A_204 = arith.constant 0 : i32
      %dma_wait3A_205 = tpu.memref_slice %arg13[%dma_wait3A_203, %dma_wait3A_204] : memref<200x128xf32, #tpu.memory_space<vmem>> -> memref<100x128xf32, #tpu.memory_space<vmem>>
      %dma_wait3A_206 = arith.constant 0 : i32
      %dma_wait3A_207 = tpu.memref_slice %arg9[%dma_wait3A_202, %dma_wait3A_206] : memref<2x128xi32, #tpu.memory_space<vmem>> -> memref<1x100xi32, #tpu.memory_space<vmem>>
      %dma_wait3A_208 = tpu.memref_squeeze %dma_wait3A_207 : memref<1x100xi32, #tpu.memory_space<vmem>> -> memref<100xi32, #tpu.memory_space<vmem>>
      %dma_wait3A_209 = arith.constant 0 : i32
      %dma_wait3A_210 = arith.constant 0 : i32
      %dma_wait3A_211 = tpu.memref_slice %arg3[%dma_wait3A_209, %dma_wait3A_210] : memref<100000x128xf32, #tpu.memory_space<hbm>> -> memref<100000x128xf32, #tpu.memory_space<hbm>>
      tpu.wait_indirect_dma semaphore(%arg25 : memref<!tpu.dma_semaphore, #tpu.memory_space<semaphore_mem>>) src(%dma_wait3A_211 : memref<100000x128xf32, #tpu.memory_space<hbm>>) dst(%dma_wait3A_205 : memref<100x128xf32, #tpu.memory_space<vmem>>)
      %dma_wait3A_212 = arith.constant 0 : i32
      %dma_wait3A_213 = arith.constant 100 : i32
      %dma_wait3A_214 = arith.constant 0 : i32
      %dma_wait3A_215 = tpu.memref_slice %arg13[%dma_wait3A_213, %dma_wait3A_214] : memref<200x128xf32, #tpu.memory_space<vmem>> -> memref<100x128xf32, #tpu.memory_space<vmem>>
      %dma_wait3A_216 = arith.constant 0 : i32
      %dma_wait3A_217 = tpu.memref_slice %arg9[%dma_wait3A_212, %dma_wait3A_216] : memref<2x128xi32, #tpu.memory_space<vmem>> -> memref<1x100xi32, #tpu.memory_space<vmem>>
      %dma_wait3A_218 = tpu.memref_squeeze %dma_wait3A_217 : memref<1x100xi32, #tpu.memory_space<vmem>> -> memref<100xi32, #tpu.memory_space<vmem>>
      %dma_wait3A_219 = arith.constant 0 : i32
      %dma_wait3A_220 = arith.constant 0 : i32
      %dma_wait3A_221 = tpu.memref_slice %arg3[%dma_wait3A_219, %dma_wait3A_220] : memref<100000x128xf32, #tpu.memory_space<hbm>> -> memref<100000x128xf32, #tpu.memory_space<hbm>>
      tpu.wait_indirect_dma semaphore(%arg25 : memref<!tpu.dma_semaphore, #tpu.memory_space<semaphore_mem>>) src(%dma_wait3A_221 : memref<100000x128xf32, #tpu.memory_space<hbm>>) dst(%dma_wait3A_215 : memref<100x128xf32, #tpu.memory_space<vmem>>)
      %mul3A_222 = arith.constant 200 : i32
      %mul3A_223 = arith.muli %add3A_185, %mul3A_222 : i32
      %add3A_224 = arith.addi %mul3A_2, %mul3A_223 : i32
      %dma_start3A_225 = arith.constant 0 : i32
      %dma_start3A_226 = tpu.memref_slice %arg5[%add3A_224, %dma_start3A_225] : memref<819200x128xf32, #tpu.memory_space<hbm>> -> memref<200x128xf32, #tpu.memory_space<hbm>>
      %dma_start3A_227 = arith.constant 0 : i32
      %dma_start3A_228 = tpu.memref_slice %arg5[%add3A_224, %dma_start3A_227] : memref<819200x128xf32, #tpu.memory_space<hbm>> -> memref<200x128xf32, #tpu.memory_space<hbm>>
      tpu.enqueue_dma source(%arg13 : memref<200x128xf32, #tpu.memory_space<vmem>>) target(%dma_start3A_228 : memref<200x128xf32, #tpu.memory_space<hbm>>) target_semaphore(%arg29 : memref<!tpu.dma_semaphore, #tpu.memory_space<semaphore_mem>>)
      %mul3A_229 = arith.constant 4 : i32
      %mul3A_230 = arith.muli %scan3A_89, %mul3A_229 : i32
      %add3A_231 = arith.constant 3 : i32
      %add3A_232 = arith.addi %mul3A_230, %add3A_231 : i32
      %add3A_233 = arith.constant 4 : i32
      %add3A_234 = arith.addi %add3A_232, %add3A_233 : i32
      %sub3A_235 = arith.constant 1 : i32
      %sub3A_236 = arith.subi %add3A_234, %sub3A_235 : i32
      %lt3A_237 = arith.constant 128 : i32
      %lt3A_238 = arith.cmpi slt, %sub3A_236, %lt3A_237 : i32
      %convert_element_type3A_239 = arith.extui %lt3A_238 : i1 to i32
      %cond3A_240 = arith.constant 0 : i32
      %cond3A_241 = arith.cmpi ne, %convert_element_type3A_239, %cond3A_240 : i32
      scf.if %cond3A_241 {
        %gt3A = arith.constant 0 : i32
        %gt3A_276 = arith.cmpi sgt, %add3A_232, %gt3A : i32
        %convert_element_type3A_277 = arith.extui %gt3A_276 : i1 to i32
        %cond3A_278 = arith.constant 0 : i32
        %cond3A_279 = arith.cmpi ne, %convert_element_type3A_277, %cond3A_278 : i32
        scf.if %cond3A_279 {
          %dma_wait3A_292 = arith.constant 0 : i32
          %dma_wait3A_293 = arith.constant 0 : i32
          %dma_wait3A_294 = tpu.memref_slice %arg5[%dma_wait3A_292, %dma_wait3A_293] : memref<819200x128xf32, #tpu.memory_space<hbm>> -> memref<200x128xf32, #tpu.memory_space<hbm>>
          %dma_wait3A_295 = arith.constant 0 : i32
          %dma_wait3A_296 = arith.constant 0 : i32
          %dma_wait3A_297 = tpu.memref_slice %arg5[%dma_wait3A_295, %dma_wait3A_296] : memref<819200x128xf32, #tpu.memory_space<hbm>> -> memref<200x128xf32, #tpu.memory_space<hbm>>
          tpu.wait_dma2 semaphore(%arg29 : memref<!tpu.dma_semaphore, #tpu.memory_space<semaphore_mem>>) src(%arg13 : memref<200x128xf32, #tpu.memory_space<vmem>>) dst(%dma_wait3A_297 : memref<200x128xf32, #tpu.memory_space<hbm>>)
        } else {
        }
        %add3A_280 = arith.constant 4 : i32
        %add3A_281 = arith.addi %add3A_232, %add3A_280 : i32
        %sub3A_282 = arith.constant 1 : i32
        %sub3A_283 = arith.subi %add3A_281, %sub3A_282 : i32
        %dma_start3A_284 = arith.constant 0 : i32
        %dma_start3A_285 = arith.constant 0 : i32
        %dma_start3A_286 = tpu.memref_slice %arg2[%add3A, %sub3A_283, %dma_start3A_284, %dma_start3A_285] : memref<32x128x2x128xi32, #tpu.memory_space<hbm>> -> memref<1x1x2x128xi32, #tpu.memory_space<hbm>>
        %dma_start3A_287 = tpu.memref_squeeze %dma_start3A_286 : memref<1x1x2x128xi32, #tpu.memory_space<hbm>> -> memref<2x128xi32, #tpu.memory_space<hbm>>
        %dma_start3A_288 = arith.constant 0 : i32
        %dma_start3A_289 = arith.constant 0 : i32
        %dma_start3A_290 = tpu.memref_slice %arg2[%add3A, %sub3A_283, %dma_start3A_288, %dma_start3A_289] : memref<32x128x2x128xi32, #tpu.memory_space<hbm>> -> memref<1x1x2x128xi32, #tpu.memory_space<hbm>>
        %dma_start3A_291 = tpu.memref_squeeze %dma_start3A_290 : memref<1x1x2x128xi32, #tpu.memory_space<hbm>> -> memref<2x128xi32, #tpu.memory_space<hbm>>
        tpu.enqueue_dma source(%dma_start3A_291 : memref<2x128xi32, #tpu.memory_space<hbm>>) target(%arg9 : memref<2x128xi32, #tpu.memory_space<vmem>>) target_semaphore(%arg17 : memref<!tpu.dma_semaphore, #tpu.memory_space<semaphore_mem>>)
        tpu.enqueue_dma source(%arg6 : memref<200x128xf32, #tpu.memory_space<vmem_shared>>) target(%arg13 : memref<200x128xf32, #tpu.memory_space<vmem>>) target_semaphore(%arg21 : memref<!tpu.dma_semaphore, #tpu.memory_space<semaphore_mem>>)
      } else {
      }
      %add3A_242 = arith.constant 1 : i32
      %add3A_243 = arith.addi %add3A_232, %add3A_242 : i32
      %lt3A_244 = arith.constant 128 : i32
      %lt3A_245 = arith.cmpi slt, %add3A_243, %lt3A_244 : i32
      %convert_element_type3A_246 = arith.extui %lt3A_245 : i1 to i32
      %cond3A_247 = arith.constant 0 : i32
      %cond3A_248 = arith.cmpi ne, %convert_element_type3A_246, %cond3A_247 : i32
      scf.if %cond3A_248 {
        %dma_wait3A_276 = arith.constant 0 : i32
        %dma_wait3A_277 = arith.constant 0 : i32
        %dma_wait3A_278 = arith.constant 0 : i32
        %dma_wait3A_279 = arith.constant 0 : i32
        %dma_wait3A_280 = tpu.memref_slice %arg2[%dma_wait3A_276, %dma_wait3A_277, %dma_wait3A_278, %dma_wait3A_279] : memref<32x128x2x128xi32, #tpu.memory_space<hbm>> -> memref<1x1x2x128xi32, #tpu.memory_space<hbm>>
        %dma_wait3A_281 = tpu.memref_squeeze %dma_wait3A_280 : memref<1x1x2x128xi32, #tpu.memory_space<hbm>> -> memref<2x128xi32, #tpu.memory_space<hbm>>
        %dma_wait3A_282 = arith.constant 0 : i32
        %dma_wait3A_283 = arith.constant 0 : i32
        %dma_wait3A_284 = tpu.memref_slice %arg2[%dma_wait3A_276, %dma_wait3A_277, %dma_wait3A_282, %dma_wait3A_283] : memref<32x128x2x128xi32, #tpu.memory_space<hbm>> -> memref<1x1x2x128xi32, #tpu.memory_space<hbm>>
        %dma_wait3A_285 = tpu.memref_squeeze %dma_wait3A_284 : memref<1x1x2x128xi32, #tpu.memory_space<hbm>> -> memref<2x128xi32, #tpu.memory_space<hbm>>
        tpu.wait_dma2 semaphore(%arg15 : memref<!tpu.dma_semaphore, #tpu.memory_space<semaphore_mem>>) src(%dma_wait3A_285 : memref<2x128xi32, #tpu.memory_space<hbm>>) dst(%arg7 : memref<2x128xi32, #tpu.memory_space<vmem>>)
        tpu.wait_dma2 semaphore(%arg19 : memref<!tpu.dma_semaphore, #tpu.memory_space<semaphore_mem>>) src(%arg6 : memref<200x128xf32, #tpu.memory_space<vmem_shared>>) dst(%arg11 : memref<200x128xf32, #tpu.memory_space<vmem>>)
        %add3A_286 = arith.constant 1 : i32
        %add3A_287 = arith.addi %add3A_232, %add3A_286 : i32
        %dma_start3A_288 = arith.constant 0 : i32
        %dma_start3A_289 = arith.constant 0 : i32
        %dma_start3A_290 = arith.constant 0 : i32
        %dma_start3A_291 = tpu.memref_slice %arg11[%dma_start3A_289, %dma_start3A_290] : memref<200x128xf32, #tpu.memory_space<vmem>> -> memref<100x128xf32, #tpu.memory_space<vmem>>
        %dma_start3A_292 = arith.constant 0 : i32
        %dma_start3A_293 = tpu.memref_slice %arg7[%dma_start3A_288, %dma_start3A_292] : memref<2x128xi32, #tpu.memory_space<vmem>> -> memref<1x100xi32, #tpu.memory_space<vmem>>
        %dma_start3A_294 = tpu.memref_squeeze %dma_start3A_293 : memref<1x100xi32, #tpu.memory_space<vmem>> -> memref<100xi32, #tpu.memory_space<vmem>>
        %dma_start3A_295 = arith.constant 0 : i32
        %dma_start3A_296 = arith.constant 0 : i32
        %dma_start3A_297 = tpu.memref_slice %arg3[%dma_start3A_295, %dma_start3A_296] : memref<100000x128xf32, #tpu.memory_space<hbm>> -> memref<100000x128xf32, #tpu.memory_space<hbm>>
        tpu.enqueue_indirect_dma source(%dma_start3A_297 : memref<100000x128xf32, #tpu.memory_space<hbm>>) target(%dma_start3A_291 : memref<100x128xf32, #tpu.memory_space<vmem>>) offsets(%dma_start3A_294 : memref<100xi32, #tpu.memory_space<vmem>>) semaphore(%arg23 : memref<!tpu.dma_semaphore, #tpu.memory_space<semaphore_mem>>) {add = true}
        %dma_start3A_298 = arith.constant 1 : i32
        %dma_start3A_299 = arith.constant 100 : i32
        %dma_start3A_300 = arith.constant 0 : i32
        %dma_start3A_301 = tpu.memref_slice %arg11[%dma_start3A_299, %dma_start3A_300] : memref<200x128xf32, #tpu.memory_space<vmem>> -> memref<100x128xf32, #tpu.memory_space<vmem>>
        %dma_start3A_302 = arith.constant 0 : i32
        %dma_start3A_303 = tpu.memref_slice %arg7[%dma_start3A_298, %dma_start3A_302] : memref<2x128xi32, #tpu.memory_space<vmem>> -> memref<1x100xi32, #tpu.memory_space<vmem>>
        %dma_start3A_304 = tpu.memref_squeeze %dma_start3A_303 : memref<1x100xi32, #tpu.memory_space<vmem>> -> memref<100xi32, #tpu.memory_space<vmem>>
        %dma_start3A_305 = arith.constant 0 : i32
        %dma_start3A_306 = arith.constant 0 : i32
        %dma_start3A_307 = tpu.memref_slice %arg3[%dma_start3A_305, %dma_start3A_306] : memref<100000x128xf32, #tpu.memory_space<hbm>> -> memref<100000x128xf32, #tpu.memory_space<hbm>>
        tpu.enqueue_indirect_dma source(%dma_start3A_307 : memref<100000x128xf32, #tpu.memory_space<hbm>>) target(%dma_start3A_301 : memref<100x128xf32, #tpu.memory_space<vmem>>) offsets(%dma_start3A_304 : memref<100xi32, #tpu.memory_space<vmem>>) semaphore(%arg23 : memref<!tpu.dma_semaphore, #tpu.memory_space<semaphore_mem>>) {add = true}
      } else {
      }
      %dma_wait3A_249 = arith.constant 0 : i32
      %dma_wait3A_250 = arith.constant 0 : i32
      %dma_wait3A_251 = arith.constant 0 : i32
      %dma_wait3A_252 = tpu.memref_slice %arg14[%dma_wait3A_250, %dma_wait3A_251] : memref<200x128xf32, #tpu.memory_space<vmem>> -> memref<100x128xf32, #tpu.memory_space<vmem>>
      %dma_wait3A_253 = arith.constant 0 : i32
      %dma_wait3A_254 = tpu.memref_slice %arg10[%dma_wait3A_249, %dma_wait3A_253] : memref<2x128xi32, #tpu.memory_space<vmem>> -> memref<1x100xi32, #tpu.memory_space<vmem>>
      %dma_wait3A_255 = tpu.memref_squeeze %dma_wait3A_254 : memref<1x100xi32, #tpu.memory_space<vmem>> -> memref<100xi32, #tpu.memory_space<vmem>>
      %dma_wait3A_256 = arith.constant 0 : i32
      %dma_wait3A_257 = arith.constant 0 : i32
      %dma_wait3A_258 = tpu.memref_slice %arg3[%dma_wait3A_256, %dma_wait3A_257] : memref<100000x128xf32, #tpu.memory_space<hbm>> -> memref<100000x128xf32, #tpu.memory_space<hbm>>
      tpu.wait_indirect_dma semaphore(%arg26 : memref<!tpu.dma_semaphore, #tpu.memory_space<semaphore_mem>>) src(%dma_wait3A_258 : memref<100000x128xf32, #tpu.memory_space<hbm>>) dst(%dma_wait3A_252 : memref<100x128xf32, #tpu.memory_space<vmem>>)
      %dma_wait3A_259 = arith.constant 0 : i32
      %dma_wait3A_260 = arith.constant 100 : i32
      %dma_wait3A_261 = arith.constant 0 : i32
      %dma_wait3A_262 = tpu.memref_slice %arg14[%dma_wait3A_260, %dma_wait3A_261] : memref<200x128xf32, #tpu.memory_space<vmem>> -> memref<100x128xf32, #tpu.memory_space<vmem>>
      %dma_wait3A_263 = arith.constant 0 : i32
      %dma_wait3A_264 = tpu.memref_slice %arg10[%dma_wait3A_259, %dma_wait3A_263] : memref<2x128xi32, #tpu.memory_space<vmem>> -> memref<1x100xi32, #tpu.memory_space<vmem>>
      %dma_wait3A_265 = tpu.memref_squeeze %dma_wait3A_264 : memref<1x100xi32, #tpu.memory_space<vmem>> -> memref<100xi32, #tpu.memory_space<vmem>>
      %dma_wait3A_266 = arith.constant 0 : i32
      %dma_wait3A_267 = arith.constant 0 : i32
      %dma_wait3A_268 = tpu.memref_slice %arg3[%dma_wait3A_266, %dma_wait3A_267] : memref<100000x128xf32, #tpu.memory_space<hbm>> -> memref<100000x128xf32, #tpu.memory_space<hbm>>
      tpu.wait_indirect_dma semaphore(%arg26 : memref<!tpu.dma_semaphore, #tpu.memory_space<semaphore_mem>>) src(%dma_wait3A_268 : memref<100000x128xf32, #tpu.memory_space<hbm>>) dst(%dma_wait3A_262 : memref<100x128xf32, #tpu.memory_space<vmem>>)
      %mul3A_269 = arith.constant 200 : i32
      %mul3A_270 = arith.muli %add3A_232, %mul3A_269 : i32
      %add3A_271 = arith.addi %mul3A_2, %mul3A_270 : i32
      %dma_start3A_272 = arith.constant 0 : i32
      %dma_start3A_273 = tpu.memref_slice %arg5[%add3A_271, %dma_start3A_272] : memref<819200x128xf32, #tpu.memory_space<hbm>> -> memref<200x128xf32, #tpu.memory_space<hbm>>
      %dma_start3A_274 = arith.constant 0 : i32
      %dma_start3A_275 = tpu.memref_slice %arg5[%add3A_271, %dma_start3A_274] : memref<819200x128xf32, #tpu.memory_space<hbm>> -> memref<200x128xf32, #tpu.memory_space<hbm>>
      tpu.enqueue_dma source(%arg14 : memref<200x128xf32, #tpu.memory_space<vmem>>) target(%dma_start3A_275 : memref<200x128xf32, #tpu.memory_space<hbm>>) target_semaphore(%arg30 : memref<!tpu.dma_semaphore, #tpu.memory_space<semaphore_mem>>)
    }
    %scan3A_64 = arith.constant 32 : i32
    %dma_wait3A_65 = arith.constant 0 : i32
    %dma_wait3A_66 = arith.constant 0 : i32
    %dma_wait3A_67 = tpu.memref_slice %arg5[%dma_wait3A_65, %dma_wait3A_66] : memref<819200x128xf32, #tpu.memory_space<hbm>> -> memref<200x128xf32, #tpu.memory_space<hbm>>
    %dma_wait3A_68 = arith.constant 0 : i32
    %dma_wait3A_69 = arith.constant 0 : i32
    %dma_wait3A_70 = tpu.memref_slice %arg5[%dma_wait3A_68, %dma_wait3A_69] : memref<819200x128xf32, #tpu.memory_space<hbm>> -> memref<200x128xf32, #tpu.memory_space<hbm>>
    tpu.wait_dma2 semaphore(%arg27 : memref<!tpu.dma_semaphore, #tpu.memory_space<semaphore_mem>>) src(%arg11 : memref<200x128xf32, #tpu.memory_space<vmem>>) dst(%dma_wait3A_70 : memref<200x128xf32, #tpu.memory_space<hbm>>)
    %dma_wait3A_71 = arith.constant 0 : i32
    %dma_wait3A_72 = arith.constant 0 : i32
    %dma_wait3A_73 = tpu.memref_slice %arg5[%dma_wait3A_71, %dma_wait3A_72] : memref<819200x128xf32, #tpu.memory_space<hbm>> -> memref<200x128xf32, #tpu.memory_space<hbm>>
    %dma_wait3A_74 = arith.constant 0 : i32
    %dma_wait3A_75 = arith.constant 0 : i32
    %dma_wait3A_76 = tpu.memref_slice %arg5[%dma_wait3A_74, %dma_wait3A_75] : memref<819200x128xf32, #tpu.memory_space<hbm>> -> memref<200x128xf32, #tpu.memory_space<hbm>>
    tpu.wait_dma2 semaphore(%arg28 : memref<!tpu.dma_semaphore, #tpu.memory_space<semaphore_mem>>) src(%arg12 : memref<200x128xf32, #tpu.memory_space<vmem>>) dst(%dma_wait3A_76 : memref<200x128xf32, #tpu.memory_space<hbm>>)
    %dma_wait3A_77 = arith.constant 0 : i32
    %dma_wait3A_78 = arith.constant 0 : i32
    %dma_wait3A_79 = tpu.memref_slice %arg5[%dma_wait3A_77, %dma_wait3A_78] : memref<819200x128xf32, #tpu.memory_space<hbm>> -> memref<200x128xf32, #tpu.memory_space<hbm>>
    %dma_wait3A_80 = arith.constant 0 : i32
    %dma_wait3A_81 = arith.constant 0 : i32
    %dma_wait3A_82 = tpu.memref_slice %arg5[%dma_wait3A_80, %dma_wait3A_81] : memref<819200x128xf32, #tpu.memory_space<hbm>> -> memref<200x128xf32, #tpu.memory_space<hbm>>
    tpu.wait_dma2 semaphore(%arg29 : memref<!tpu.dma_semaphore, #tpu.memory_space<semaphore_mem>>) src(%arg13 : memref<200x128xf32, #tpu.memory_space<vmem>>) dst(%dma_wait3A_82 : memref<200x128xf32, #tpu.memory_space<hbm>>)
    %dma_wait3A_83 = arith.constant 0 : i32
    %dma_wait3A_84 = arith.constant 0 : i32
    %dma_wait3A_85 = tpu.memref_slice %arg5[%dma_wait3A_83, %dma_wait3A_84] : memref<819200x128xf32, #tpu.memory_space<hbm>> -> memref<200x128xf32, #tpu.memory_space<hbm>>
    %dma_wait3A_86 = arith.constant 0 : i32
    %dma_wait3A_87 = arith.constant 0 : i32
    %dma_wait3A_88 = tpu.memref_slice %arg5[%dma_wait3A_86, %dma_wait3A_87] : memref<819200x128xf32, #tpu.memory_space<hbm>> -> memref<200x128xf32, #tpu.memory_space<hbm>>
    tpu.wait_dma2 semaphore(%arg30 : memref<!tpu.dma_semaphore, #tpu.memory_space<semaphore_mem>>) src(%arg14 : memref<200x128xf32, #tpu.memory_space<vmem>>) dst(%dma_wait3A_88 : memref<200x128xf32, #tpu.memory_space<hbm>>)
    return
  }
}

</mosaic_0001>

<sc_bundles>
// kernel: kernel.3.cloned.1.call-start
scs
__scs_entry_jumppad:
0x0: {  	(pc) =	sbr.rel $0x88, $3  }
0x1: {  	(tag) =	ssettag $0x0;
	lr =	simm.s32 $0x1  }
0x2: {  	[smem:$0x3F9E] =	sst lr;
	_ =	strace $0xD0000000  }
0x3: {  	_ = 	snop  }
0x4: {  	_ = 	snop  }
0x5: {  	_ = 	snop  }
0x6: {  	_ = 	snop  }
0x7: {  	_ = 	snop  }
__scs_overlays_trampoline_lowered:
0x8: {  	[smem:$0x3FAD] =	sst s0  }
0x9: {  	[smem:$0x3FAE] =	sst s1  }
0xa: {  	[smem:$0x3FAF] =	sst s2  }
0xb: {  	[smem:$0x3FB0] =	sst s3  }
0xc: {  	[smem:$0x3FB1] =	sst s4  }
0xd: {  	[smem:$0x3FB2] =	sst s5  }
0xe: {  	[smem:$0x3FB3] =	sst s6  }
0xf: {  	[smem:$0x3FB4] =	sst s7  }
0x10: {  	[smem:$0x3FB5] =	sst s8  }
0x11: {  	[smem:$0x3FB6] =	sst s9;
	s0 =	simm.s32 @!p0 $0x0  }
0x12: {  	s1 =	sld [smem:$0x3F9C];
	s0 =	simm.s32 @p0 $0x1  }
0x13: {  	[smem:$0x3FB7] =	sst s0;
	s0 =	simm.s32 @!p1 $0x0  }
0x14: {  	s2 =	sld [smem:$0x3F9B];
	s0 =	simm.s32 @p1 $0x1  }
0x15: {  	[smem:$0x3FB8] =	sst s0;
	s0 =	simm.s32 @!p2 $0x0  }
0x16: {  	s3 =	sld [smem:$0x3FDB];
	s0 =	simm.s32 @p2 $0x1  }
0x17: {  	s4 =	simm.s32 $0x1BF5;
	[smem:$0x3FBA] =	sst s0  }
0x18: {  	s0 =	sld [smem:$0x3F9D];
	_ =	swait.ge [sflag:s4], $0x0  }
0x19: {  	s7 =	sld [smem:$0x3F9E]  }
0x1a: {  	s8 =	sadd.s32 $0xFFFFE003, lr  }
0x1b: {  	s9 =	sadd.s32 $0xFFFFFEF7, lr;
	s5 =	simm.s32 $0xFFFFFFFF;
	p2 =	slt.u32 s8, $0xFFFFF086  }
0x1c: {  	p1 =	slt.u32 s9, $0xF7A;
	s5 =	simm.s32 @!p2 $0x0  }
0x1d: {  	s5 =	simm.s32 @p1 $0x1;
	p0 =	seq.s32 s7, s2  }
0x1e: {  	s7 =	smul.u32 @!p0 $0xF7A, s2;
	p2 =	seq.s32 @!p0 s5, $0x0  }
0x1f: {  	s9 =	smul.u32 $0xF7A, s1;
	s8 =	simm.s32 @!p0 $0x1BF5;
	p2 =	por !p2, p0  }
0x20: {  	[sflag:s8] =	ssyncset.s32 @!p0 $0xFFFFF086;
	s6 =	sadd.s32 @!p0 s3, s7;
	s7 =	simm.s32 @!p0 $0x108  }
0x21: {  	s3 =	sadd.s32 s3, s9;
	s6 =	sadd.s32 @!p0 $0x88, s6;
	s7 =	simm.s32 @p2 $0x1082  }
0x22: {  	[simem:s7], [sflag:s8] =	dma.local @!p0 [hbm:s6], $0xF7A  }
0x23: {  	s9 =	sor.u32 $0xD0000000, s2;
	s6 =	simm.s32 $0x108;
	_ =	swait.ge @!p0 [sflag:s8], $0x0  }
0x24: {  	s3 =	sadd.s32 $0x88, s3;
	s6 =	simm.s32 @!p1 $0x1082;
	[sflag:s4] =	ssyncset.s32 $0xFFFFF086  }
0x25: {  	[simem:s6], [sflag:s4] =	dma.local [hbm:s3], $0xF7A  }
0x26: {  	[smem:$0x3F9E] =	sst s1;
	(tag) =	ssettag s2;
	_ =	strace s9  }
0x27: {  	s1 =	sld [smem:$0x3FAE]  }
0x28: {  	s2 =	sld [smem:$0x3FAF]  }
0x29: {  	s4 =	sld [smem:$0x3FB1]  }
0x2a: {  	p0 =	seq.s32 s5, $0x0;
	s5 =	sld [smem:$0x3FB2]  }
0x2b: {  	s6 =	sld [smem:$0x3FB3]  }
0x2c: {  	s7 =	sld [smem:$0x3FB4]  }
0x2d: {  	s3 =	simm.s32 $0x108;
	s8 =	sld [smem:$0x3FB5]  }
0x2e: {  	s3 =	simm.s32 @!p0 $0x1082;
	s9 =	sld [smem:$0x3FB6]  }
0x2f: {  	lr =	sadd.s32 s0, s3;
	s0 =	sld [smem:$0x3FAD]  }
0x30: {  	s3 =	sld [smem:$0x3FB0]  }
0x31: {  	[smem:$0x3FB9] =	sst s10  }
0x32: {  	s10 =	sld [smem:$0x3FB7];
	_ =	sdelay $0x3  }
0x33: {  	p0 =	seq.s32 s10, $0x1;
	s10 =	sld [smem:$0x3FB9];
	_ =	sdelay $0x3  }
0x34: {  	[smem:$0x3FB9] =	sst s10  }
0x35: {  	s10 =	sld [smem:$0x3FB8];
	_ =	sdelay $0x3  }
0x36: {  	p1 =	seq.s32 s10, $0x1;
	s10 =	sld [smem:$0x3FB9];
	_ =	sdelay $0x3  }
0x37: {  	[smem:$0x3FB9] =	sst s10  }
0x38: {  	s10 =	sld [smem:$0x3FBA]  }
0x39: {  	_ = 	snop;
	(pc) =	sbr.ind lr, $3  }
0x3a: {  	_ = 	snop  }
0x3b: {  	_ = 	snop  }
0x3c: {  	p2 =	seq.s32 s10, $0x1;
	s10 =	sld [smem:$0x3FB9]  }
0x3d: {  	_ =	shalt  }
0x3e: {  	_ =	shalt  }
0x3f: {  	_ =	shalt  }
0x40: {  	_ =	shalt  }
0x41: {  	_ =	shalt  }
0x42: {  	_ =	shalt  }
0x43: {  	_ =	shalt  }
0x44: {  	_ =	shalt  }
0x45: {  	_ =	shalt  }
0x46: {  	_ =	shalt  }
0x47: {  	_ =	shalt  }
0x48: {  	_ =	shalt  }
0x49: {  	_ =	shalt  }
0x4a: {  	_ =	shalt  }
0x4b: {  	_ =	shalt  }
0x4c: {  	_ =	shalt  }
0x4d: {  	_ =	shalt  }
0x4e: {  	_ =	shalt  }
0x4f: {  	_ =	shalt  }
0x50: {  	_ =	shalt  }
0x51: {  	_ =	shalt  }
0x52: {  	_ =	shalt  }
0x53: {  	_ =	shalt  }
0x54: {  	_ =	shalt  }
0x55: {  	_ =	shalt  }
0x56: {  	_ =	shalt  }
0x57: {  	_ =	shalt  }
0x58: {  	_ =	shalt  }
0x59: {  	_ =	shalt  }
0x5a: {  	_ =	shalt  }
0x5b: {  	_ =	shalt  }
0x5c: {  	_ =	shalt  }
0x5d: {  	_ =	shalt  }
0x5e: {  	_ =	shalt  }
0x5f: {  	_ =	shalt  }
0x60: {  	_ =	shalt  }
0x61: {  	_ =	shalt  }
0x62: {  	_ =	shalt  }
0x63: {  	_ =	shalt  }
0x64: {  	_ =	shalt  }
0x65: {  	_ =	shalt  }
0x66: {  	_ =	shalt  }
0x67: {  	_ =	shalt  }
0x68: {  	_ =	shalt  }
0x69: {  	_ =	shalt  }
0x6a: {  	_ =	shalt  }
0x6b: {  	_ =	shalt  }
0x6c: {  	_ =	shalt  }
0x6d: {  	_ =	shalt  }
0x6e: {  	_ =	shalt  }
0x6f: {  	_ =	shalt  }
0x70: {  	_ =	shalt  }
0x71: {  	_ =	shalt  }
0x72: {  	_ =	shalt  }
0x73: {  	_ =	shalt  }
0x74: {  	_ =	shalt  }
0x75: {  	_ =	shalt  }
0x76: {  	_ =	shalt  }
0x77: {  	_ =	shalt  }
0x78: {  	_ =	shalt  }
0x79: {  	_ =	shalt  }
0x7a: {  	_ =	shalt  }
0x7b: {  	_ =	shalt  }
0x7c: {  	_ =	shalt  }
0x7d: {  	_ =	shalt  }
0x7e: {  	_ =	shalt  }
0x7f: {  	_ =	shalt  }
0x80: {  	_ =	shalt  }
0x81: {  	_ =	shalt  }
0x82: {  	_ =	shalt  }
0x83: {  	_ =	shalt  }
0x84: {  	_ =	shalt  }
0x85: {  	_ =	shalt  }
0x86: {  	_ =	shalt  }
0x87: {  	_ =	shalt  }
.Lfunc_end0:
.L_simem_size_0:
called_computation_lowered:
.L_overlay_start_0:
0x88: {  	s2 =	sld [smem:$0x3FD9]  }
0x89: {  	s3 =	sld [smem:$0x3FFE];
	_ =	sdelay $0x1  }
0x8a: {  	s1 =	srdreg.scid  }
0x8b: {  	s0 =	sand.u32 $0x1, s1  }
0x8c: {  	s17 =	sshll.u32 s0, $0xA;
	s2 =	sadd.s32 s3, s2  }
0x8d: {  	s2 =	sadd.s32 s2, s17  }
0x8e: {  	[smem:$0x3FC5] =	sst s2  }
0x8f: {  	_ = 	snop  }
0x90: {  	s2 =	sld [smem:$0x3FC8]  }
0x91: {  	s18 =	sld [smem:$0x3FC7]  }
0x92: {  	s4 =	sld [smem:$0x3FD0];
	(tm) =	ssettm $0x1  }
0x93: {  	s5 =	sld [smem:$0x3FFB];
	_ =	sdelay $0x3  }
0x94: {  	_ =	strace s5  }
0x95: {  	s5 =	sld [smem:$0x3FFC];
	_ =	sdelay $0x3  }
0x96: {  	_ =	strace s5  }
0x97: {  	s5 =	sld [smem:$0x3FFD];
	_ =	sdelay $0x3  }
0x98: {  	_ =	strace s5  }
0x99: {  	_ =	strace $0x8FFFFFFF  }
0x9a: {  	s19 =	sld [smem:$0x3FDB];
	_ =	sdelay $0x1  }
0x9b: {  	s6 =	simm.s32 $_scs_section_size  }
0x9c: {  	s7 =	simm.s32 $_size__tile_overlayer_lowered;
	s8 =	simm.s32 $_tile_overlayer_lowered  }
0x9d: {  	s22 =	simm.s32 $0x1BFF;
	s21 =	sshll.u32 s8, $0x1;
	s5 =	sadd.s32 s6, s19  }
0x9e: {  	s9 =	simm.s32 $0x0;
	s20 =	sshll.u32 s7, $0x1;
	s7 =	sadd.s32 s21, s5  }
0x9f: {  	[timem:s9], [sflag:s22] =	dma.local [hbm:s7], s20  }
0xa0: {  	_ =	swait.ge [sflag:s22], s20  }
0xa1: {  	s6 =	ssub.s32 $0x0, s20;
	[sflag:s22] =	ssyncset.done $0x0  }
0xa2: {  	[sflag:s22] =	ssyncadd.s32 s6;
	_ =	sdelay $0x1  }
0xa3: {  	s23 =	simm.s32 $0x1B8B  }
0xa4: {  	_ =	swait.ge [sflag:s23], $0x1  }
0xa5: {  	[sflag:s23] =	ssyncset.done $0x0  }
0xa6: {  	s25 =	simm.s32 $0x1B8E;
	s24 =	sld [smem:$0x3FFE];
	[sflag:s23] =	ssyncadd.s32 $0xFFFFFFFF  }
0xa7: {  	s26 =	simm.s32 $execute0_lowered;
	[smem:$0x3FD2] =	sst s25  }
0xa8: {  	s7 =	sshll.u32 s26, $0x1;
	_ =	strace $0x80000046;
	[dreg:$0x1] =	wrdreg $0xFFFFFFFF  }
0xa9: {  	s28 =	simm.s32 $_size_execute0_lowered;
	s5 =	sadd.s32 s5, s7;
	[dreg:$0x0] =	wrdreg $0x0  }
0xaa: {  	s7 =	sshll.u32 s28, $0x1;
	[dreg:$0x2] =	wrdreg s5  }
0xab: {  	[dreg:$0x3] =	wrdreg s7  }
0xac: {  	[dreg:$0x4] =	wrdreg $0xC0  }
0xad: {  	_ =	task [dreg:s9], $0x5FFFF  }
0xae: {  	[dreg:$0x1] =	wrdreg $0xFFFFFFFF  }
0xaf: {  	[dreg:$0x0] =	wrdreg $0x60  }
0xb0: {  	[dreg:$0x2] =	wrdreg s24  }
0xb1: {  	[dreg:$0x3] =	wrdreg s2  }
0xb2: {  	[dreg:$0x4] =	wrdreg s18  }
0xb3: {  	[dreg:$0x5] =	wrdreg s4  }
0xb4: {  	[dreg:$0x6] =	wrdreg $0x0  }
0xb5: {  	[dreg:$0x7] =	wrdreg $0x9  }
0xb6: {  	_ =	task.clear_ibuf [dreg:s9], $0x8FFFF;
	_ =	strace $0x90000046  }
0xb7: {  	s29 =	simm.s32 $0x9;
	_ =	strace $0x80000048  }
0xb8: {  	_ =	swait.ge [sflag:s29], $0x1  }
0xb9: {  	[sflag:s29] =	ssyncadd.s32 $0xFFFFFFFF  }
0xba: {  	_ =	strace $0x90000048  }
0xbb: {  	_ =	sfence  }
0xbc: {  	s30 =	sld [smem:$0x0];
	_ =	sdelay $0x2  }
0xbd: {  	s31 =	sshll.u32 s1, $0xD;
	s1 =	sshrl.u32 s1, $0x2  }
0xbe: {  	s3 =	sand.u32 $0x4000, s31;
	s1 =	sadd.s32 s1, s30  }
0xbf: {  	s0 =	sor.u32 s3, s0;
	s1 =	sshll.u32 s1, $0x11  }
0xc0: {  	s0 =	sor.u32 s1, s0  }
0xc1: {  	s0 =	sadd.s32 $0x8F2B, s0  }
0xc2: {  	[sflag:s0] =	ssyncadd.remote.s32 $0x1  }
0xc3: {  	_ =	sfence.sel $0xFFFF  }
0xc4: {  	[dreg:$0x0] =	wrdreg $0xFFFFFFFF;
	(pc) =	sbr.abs _section_cstart, $3  }
0xc5: {  	[dreg:$0x1] =	wrdreg $0xFFFFFFFF  }
0xc6: {  	_ =	task.clear_ibuf [dreg:s9], $0x2FFFF;
	_ =	strace $0x9FFFFFFF  }
0xc7: {  	(tm) =	ssettm $0x7FFFFFFF  }
tec
execute0_lowered:
.L_overlay_start_1:
0x0: {  	(tag) =	ssettag $0x1  }
0x1: {  	s0 =	rddreg [dreg:$0x0]  }
0x2: {  	s1 =	rddreg [dreg:$0x1]  }
0x3: {  	s2 =	rddreg [dreg:$0x3]  }
0x4: {  	s3 =	rddreg [dreg:$0x4];
	s4 =	simm.s32 $0x0  }
0x5: {  	s5 =	srdreg.scid;
	s6 =	stileid.u32;
	s21 =	simm.s32 $0x7C0  }
0x6: {  	s22 =	simm.s32 $0xA040;
	s23 =	simm.s32 $0x8C0;
	s24 =	simm.s32 $0x10440  }
0x7: {  	s25 =	simm.s32 $0x9C0;
	s28 =	simm.s32 $0x3;
	s29 =	simm.s32 $0x7  }
0x8: {  	s30 =	simm.s32 $0xA;
	s31 =	simm.s32 $0x4;
	[smem:$0x7FF] =	sst s4  }
0x9: {  	s0 =	sadd.s32 $0x400, s0;
	s5 =	sand.u32 $0x1, s5;
	s7 =	sshll.u32 s6, $0xD  }
0xa: {  	s9 =	sshll.u32 s6, $0x10;
	s18 =	smul.u32 $0xC8000, s6;
	p0 =	sne.s32 s6, $0x0  }
0xb: {  	_ =	strace $0x80000047;
	s8 =	sshll.u32 s5, $0xC;
	[dreg:$0xa] =	wrdreg s21  }
0xc: {  	s10 =	sshll.u32 s5, $0xF;
	s11 =	ssub.s32 $0x2, s5;
	[dreg:$0xb] =	wrdreg s22  }
0xd: {  	s5 =	smul.u32 $0x64000, s5;
	s22 =	simm.s32 $0x940;
	[dreg:$0xc] =	wrdreg s23  }
0xe: {  	s23 =	simm.s32 $0x13640;
	[dreg:$0xd] =	wrdreg s24;
	s24 =	simm.s32 $0x2  }
0xf: {  	[dreg:$0xe] =	wrdreg s25;
	s25 =	simm.s32 $0x6;
	s7 =	sor.u32 s8, s7  }
0x10: {  	s26 =	sor.u32 s10, s9;
	s10 =	sshrl.u32 s11, $0x1;
	s2 =	sadd.s32 s18, s2  }
0x11: {  	s12 =	sadd.s32 s0, s7;
	s13 =	sor.u32 $0x600, s26;
	s9 =	ssub.s32 s11, s10  }
0x12: {  	s15 =	sor.u32 $0x500, s26;
	s17 =	sor.u32 $0x400, s26;
	s8 =	sor.u32 $0x300, s26  }
0x13: {  	s2 =	sadd.s32 s5, s2;
	s26 =	simm.s32 $0x16840;
	s14 =	sadd.s32 $0x20, s12  }
0x14: {  	s7 =	sshrl.u32 s13, $0x3;
	[dreg:$0x10] =	wrdreg s12;
	s10 =	sadd.s32 $0x40, s12  }
0x15: {  	s9 =	smax.u32 s9, $0x1;
	s16 =	sshrl.u32 s15, $0x3;
	[dreg:$0xf] =	wrdreg s26  }
0x16: {  	s19 =	sshrl.u32 s17, $0x3;
	s20 =	sshrl.u32 s8, $0x3;
	[dreg:$0x11] =	wrdreg s14  }
0x17: {  	s2 =	sadd.s32 $0x1900, s2;
	s26 =	simm.s32 $0x9;
	[dreg:$0x12] =	wrdreg s10  }
0x18: {  	s15 =	simm.s32 $0x740;
	s13 =	simm.s32 $0xA40;
	[dreg:$0x13] =	wrdreg s9  }
0x19: {  	s7 =	sadd.s32 s7, s0;
	[dreg:$0x14] =	wrdreg s2;
	s14 =	simm.s32 $0x6E40  }
0x1a: {  	s2 =	simm.s32 $0xB;
	[dreg:$0x6] =	wrdreg s7;
	s7 =	sadd.s32 s16, s0  }
0x1b: {  	s16 =	simm.s32 $0xD240;
	[dreg:$0x7] =	wrdreg s7;
	s7 =	sadd.s32 s19, s0  }
0x1c: {  	s0 =	sadd.s32 s20, s0;
	s19 =	simm.s32 $0x64;
	[dreg:$0x8] =	wrdreg s7  }
0x1d: {  	s20 =	simm.s32 $0xC;
	[dreg:$0x9] =	wrdreg s0;
	s0 =	sshrl.u32 @!p0 s3, $0x3  }
0x1e: {  	s7 =	simm.s32 $0x0;
	[dreg:$0x15] =	wrdreg s0;
	s0 =	simm.s32 $0x8  }
.LBB2_1:
0x1f: {  	[dreg:$0x16] =	wrdreg s7  }
0x20: {  	s6 =	rddreg [dreg:$0x2]  }
0x21: {  	s5 =	simm.s32 @!p0 $0x1C11;
	s7 =	rddreg [dreg:$0x15]  }
0x22: {  	[spmem:s7], [sflag:s5] =	dma.local @!p0 [hbm:s6], $0xC80  }
0x23: {  	s5 =	simm.s32 @!p0 $0x11  }
0x24: {  	_ =	swait.ge @!p0 [sflag:s5], $0xC80  }
0x25: {  	[sflag:s5] =	ssyncset.done @!p0 $0x0  }
0x26: {  	[sflag:s5] =	ssyncadd.s32 @!p0 $0xFFFFF380  }
0x27: {  	[bflag:$0x0] =	sbarrier.arrive $0xFFFF  }
0x28: {  	s17 =	simm.s32 $0x640;
	s12 =	rddreg [dreg:$0x10]  }
0x29: {  	[tilespmem:s17], [sflag:$0x1] =	stream.linear.gather [hbm4b:s12+s4], $0x100, $0x38;
	[tilespmem:$0x19A40] =	vst v63  }
0x2a: {  	s7 =	simm.s32 $0xA40  }
0x2b: {  	[tilespmem:s7], [sflag:$0x5] =	stream.linear.gather [spmem:s3], $0x6400, $0x38;
	[tilespmem:$0x19A40] =	vst v63  }
0x2c: {  	s8 =	simm.s32 $0x740;
	s18 =	rddreg [dreg:$0x11]  }
0x2d: {  	[tilespmem:s8], [sflag:$0x2] =	stream.linear.gather [hbm4b:s18+s4], $0x100, $0x38;
	[tilespmem:$0x19A40] =	vst v63  }
0x2e: {  	_ = 	snop  }
0x2f: {  	[tilespmem:s14], [sflag:$0x6] =	stream.linear.gather [spmem:s3], $0x6400, $0x38;
	[tilespmem:$0x19A40] =	vst v63  }
0x30: {  	s11 =	simm.s32 $0x840;
	s21 =	rddreg [dreg:$0x12]  }
0x31: {  	[tilespmem:s11], [sflag:$0x3] =	stream.linear.gather [hbm4b:s21+s4], $0x100, $0x38;
	[tilespmem:$0x19A40] =	vst v63  }
0x32: {  	s9 =	simm.s32 $0x1  }
0x33: {  	[tilespmem:s16], [sflag:$0x7] =	stream.linear.gather [spmem:s3], $0x6400, $0x38;
	[tilespmem:$0x19A40] =	vst v63  }
0x34: {  	_ =	swait.ge [sflag:s9], $0x100  }
0x35: {  	[sflag:s9] =	ssyncset.done $0x0  }
0x36: {  	s10 =	simm.s32 $0x5;
	[sflag:s9] =	ssyncadd.s32 $0xFFFFFF00  }
0x37: {  	_ =	swait.ge [sflag:s10], $0x6400  }
0x38: {  	p1 =	por $0x1, $0x1;
	[sflag:s10] =	ssyncset.done $0x0  }
0x39: {  	p1 =	por p1, p1;
	[sflag:s10] =	ssyncadd.s32 $0xFFFF9C00  }
0x3a: {  	[tilespmem:s7], [sflag:$0x9] =	stream.indirect.gather.add.f32 [hbm:s1], $0x80, s17, s19, $0xb8;
	[tilespmem:$0x19A40] =	vst v63  }
0x3b: {  	s5 =	simm.s32 @!p1 $0x10;
	s12 =	simm.s32 $0x6C0;
	s17 =	simm.s32 $0x3C40  }
0x3c: {  	[tilespmem:s17], [sflag:$0x9] =	stream.indirect.gather.add.f32 [hbm:s1], $0x80, s12, s19, $0xb8;
	[tilespmem:$0x19A40] =	vst v63  }
0x3d: {  	_ =	swait.ge @!p1 [sflag:s5], $0x6400  }
0x3e: {  	s18 =	rddreg [dreg:$0x9];
	[sflag:s5] =	ssyncset.done @!p1 $0x0  }
0x3f: {  	[sflag:s5] =	ssyncadd.s32 @!p1 $0xFFFF9C00;
	s21 =	sadd.s32 $0x0, s18  }
0x40: {  	[tilespmem:s22], [sflag:$0x4] =	stream.linear.gather [hbm4b:s21+s4], $0x100, $0x38;
	[tilespmem:$0x19A40] =	vst v63  }
0x41: {  	_ = 	snop  }
0x42: {  	[tilespmem:s23], [sflag:$0x8] =	stream.linear.gather [spmem:s3], $0x6400, $0x38;
	[tilespmem:$0x19A40] =	vst v63  }
0x43: {  	_ =	swait.ge [sflag:s24], $0x100  }
0x44: {  	[sflag:s24] =	ssyncset.done $0x0  }
0x45: {  	[sflag:s24] =	ssyncadd.s32 $0xFFFFFF00  }
0x46: {  	_ =	swait.ge [sflag:s25], $0x6400  }
0x47: {  	[sflag:s25] =	ssyncset.done $0x0  }
0x48: {  	s6 =	rddreg [dreg:$0xb];
	[sflag:s25] =	ssyncadd.s32 $0xFFFF9C00  }
0x49: {  	[tilespmem:s14], [sflag:$0xA] =	stream.indirect.gather.add.f32 [hbm:s1], $0x80, s8, s19, $0xb8;
	[tilespmem:$0x19A40] =	vst v63  }
0x4a: {  	s9 =	rddreg [dreg:$0xa]  }
0x4b: {  	[tilespmem:s6], [sflag:$0xA] =	stream.indirect.gather.add.f32 [hbm:s1], $0x80, s9, s19, $0xb8;
	[tilespmem:$0x19A40] =	vst v63  }
0x4c: {  	_ =	swait.ge [sflag:s26], $0x3200  }
0x4d: {  	[sflag:s26] =	ssyncset.done $0x0  }
0x4e: {  	[sflag:s26] =	ssyncadd.s32 $0xFFFFCE00  }
0x4f: {  	_ =	swait.ge [sflag:s26], $0x3200  }
0x50: {  	p1 =	por $0x0, $0x0;
	[sflag:s26] =	ssyncset.done $0x0;
	s9 =	rddreg [dreg:$0x14]  }
0x51: {  	s5 =	simm.s32 @!p1 $0xD;
	[sflag:s26] =	ssyncadd.s32 $0xFFFFCE00;
	s10 =	sadd.s32 $0xFFFFE700, s9  }
0x52: {  	[hbm4b:s10+s4] =	stream.linear.scatter [tilespmem:s7], [sflag:$0xD], $0x6400, $0x38;
	[tilespmem:$0x19A40] =	vst v63  }
0x53: {  	_ =	swait.ge @!p1 [sflag:s5], $0x6400  }
0x54: {  	s7 =	simm.s32 @!p1 $0x0;
	s6 =	rddreg [dreg:$0x8];
	[sflag:s5] =	ssyncset.done @!p1 $0x0  }
0x55: {  	[sflag:s5] =	ssyncadd.s32 @!p1 $0xFFFF9C00;
	s5 =	simm.s32 @!p1 $0x640;
	s6 =	sadd.s32 @!p1 $0x0, s6  }
0x56: {  	[tilespmem:s5], [sflag:$0x1] =	stream.linear.gather @!p1 [hbm4b:s6+s7], $0x100, $0x38;
	[tilespmem:$0x19A40] =	vst v63  }
0x57: {  	s6 =	simm.s32 @!p1 $0xA40  }
0x58: {  	[tilespmem:s6], [sflag:$0x5] =	stream.linear.gather @!p1 [spmem:s3], $0x6400, $0x38;
	[tilespmem:$0x19A40] =	vst v63  }
0x59: {  	_ =	swait.ge [sflag:s28], $0x100  }
0x5a: {  	[sflag:s28] =	ssyncset.done $0x0  }
0x5b: {  	[sflag:s28] =	ssyncadd.s32 $0xFFFFFF00  }
0x5c: {  	_ =	swait.ge [sflag:s29], $0x6400  }
0x5d: {  	[sflag:s29] =	ssyncset.done $0x0  }
0x5e: {  	s12 =	rddreg [dreg:$0xd];
	[sflag:s29] =	ssyncadd.s32 $0xFFFF9C00  }
0x5f: {  	[tilespmem:s16], [sflag:$0xB] =	stream.indirect.gather.add.f32 [hbm:s1], $0x80, s11, s19, $0xb8;
	[tilespmem:$0x19A40] =	vst v63  }
0x60: {  	s10 =	rddreg [dreg:$0xc]  }
0x61: {  	[tilespmem:s12], [sflag:$0xB] =	stream.indirect.gather.add.f32 [hbm:s1], $0x80, s10, s19, $0xb8;
	[tilespmem:$0x19A40] =	vst v63  }
0x62: {  	_ =	swait.ge [sflag:s30], $0x3200  }
0x63: {  	[sflag:s30] =	ssyncset.done $0x0  }
0x64: {  	[sflag:s30] =	ssyncadd.s32 $0xFFFFCE00  }
0x65: {  	_ =	swait.ge [sflag:s30], $0x3200  }
0x66: {  	[sflag:s30] =	ssyncset.done $0x0  }
0x67: {  	s17 =	sadd.s32 $0xFFFFF380, s9;
	s10 =	simm.s32 @!p1 $0xE;
	[sflag:s30] =	ssyncadd.s32 $0xFFFFCE00  }
0x68: {  	[hbm4b:s17+s4] =	stream.linear.scatter [tilespmem:s14], [sflag:$0xE], $0x6400, $0x38;
	[tilespmem:$0x19A40] =	vst v63  }
0x69: {  	_ =	swait.ge @!p1 [sflag:s10], $0x6400  }
0x6a: {  	s8 =	rddreg [dreg:$0x7];
	[sflag:s10] =	ssyncset.done @!p1 $0x0  }
0x6b: {  	[sflag:s10] =	ssyncadd.s32 @!p1 $0xFFFF9C00;
	s10 =	simm.s32 @!p1 $0x740;
	s8 =	sadd.s32 @!p1 $0x0, s8  }
0x6c: {  	[tilespmem:s10], [sflag:$0x2] =	stream.linear.gather @!p1 [hbm4b:s8+s7], $0x100, $0x38;
	[tilespmem:$0x19A40] =	vst v63  }
0x6d: {  	s8 =	simm.s32 @!p1 $0x6E40  }
0x6e: {  	[tilespmem:s8], [sflag:$0x6] =	stream.linear.gather @!p1 [spmem:s3], $0x6400, $0x38;
	[tilespmem:$0x19A40] =	vst v63  }
0x6f: {  	_ =	swait.ge [sflag:s31], $0x100  }
0x70: {  	[sflag:s31] =	ssyncset.done $0x0  }
0x71: {  	[sflag:s31] =	ssyncadd.s32 $0xFFFFFF00  }
0x72: {  	_ =	swait.ge [sflag:s0], $0x6400  }
0x73: {  	[sflag:s0] =	ssyncset.done $0x0  }
0x74: {  	s18 =	rddreg [dreg:$0xf];
	[sflag:s0] =	ssyncadd.s32 $0xFFFF9C00  }
0x75: {  	[tilespmem:s23], [sflag:$0xC] =	stream.indirect.gather.add.f32 [hbm:s1], $0x80, s22, s19, $0xb8;
	[tilespmem:$0x19A40] =	vst v63  }
0x76: {  	s21 =	rddreg [dreg:$0xe]  }
0x77: {  	[tilespmem:s18], [sflag:$0xC] =	stream.indirect.gather.add.f32 [hbm:s1], $0x80, s21, s19, $0xb8;
	[tilespmem:$0x19A40] =	vst v63  }
0x78: {  	_ =	swait.ge [sflag:s2], $0x3200  }
0x79: {  	[sflag:s2] =	ssyncset.done $0x0  }
0x7a: {  	[sflag:s2] =	ssyncadd.s32 $0xFFFFCE00  }
0x7b: {  	_ =	swait.ge [sflag:s2], $0x3200  }
0x7c: {  	[sflag:s2] =	ssyncset.done $0x0  }
0x7d: {  	s8 =	simm.s32 @!p1 $0xF;
	[sflag:s2] =	ssyncadd.s32 $0xFFFFCE00  }
0x7e: {  	[hbm4b:s9+s4] =	stream.linear.scatter [tilespmem:s16], [sflag:$0xF], $0x6400, $0x38;
	[tilespmem:$0x19A40] =	vst v63  }
0x7f: {  	_ =	swait.ge @!p1 [sflag:s8], $0x6400  }
0x80: {  	s10 =	rddreg [dreg:$0x6];
	[sflag:s8] =	ssyncset.done @!p1 $0x0  }
0x81: {  	[sflag:s8] =	ssyncadd.s32 @!p1 $0xFFFF9C00;
	s8 =	simm.s32 @!p1 $0x840;
	s10 =	sadd.s32 @!p1 $0x0, s10  }
0x82: {  	[tilespmem:s8], [sflag:$0x3] =	stream.linear.gather @!p1 [hbm4b:s10+s7], $0x100, $0x38;
	[tilespmem:$0x19A40] =	vst v63  }
0x83: {  	s7 =	simm.s32 @!p1 $0xD240;
	s8 =	simm.s32 @!p1 $0x1  }
0x84: {  	[tilespmem:s7], [sflag:$0x7] =	stream.linear.gather @!p1 [spmem:s3], $0x6400, $0x38;
	[tilespmem:$0x19A40] =	vst v63  }
0x85: {  	_ =	swait.ge @!p1 [sflag:s8], $0x100  }
0x86: {  	[sflag:s8] =	ssyncset.done @!p1 $0x0  }
0x87: {  	s7 =	simm.s32 @!p1 $0x5;
	[sflag:s8] =	ssyncadd.s32 @!p1 $0xFFFFFF00  }
0x88: {  	_ =	swait.ge @!p1 [sflag:s7], $0x6400  }
0x89: {  	[sflag:s7] =	ssyncset.done @!p1 $0x0  }
0x8a: {  	s8 =	simm.s32 @!p1 $0x64;
	[sflag:s7] =	ssyncadd.s32 @!p1 $0xFFFF9C00  }
0x8b: {  	[tilespmem:s6], [sflag:$0x9] =	stream.indirect.gather.add.f32 @!p1 [hbm:s1], $0x80, s5, s8, $0xb8;
	[tilespmem:$0x19A40] =	vst v63  }
0x8c: {  	s5 =	simm.s32 @!p1 $0x6C0;
	s6 =	simm.s32 @!p1 $0x3C40  }
0x8d: {  	[tilespmem:s6], [sflag:$0x9] =	stream.indirect.gather.add.f32 @!p1 [hbm:s1], $0x80, s5, s8, $0xb8;
	[tilespmem:$0x19A40] =	vst v63  }
0x8e: {  	_ =	swait.ge [sflag:s20], $0x3200  }
0x8f: {  	p6 =	por $0x0, $0x0;
	[sflag:s20] =	ssyncset.done $0x0  }
0x90: {  	s17 =	simm.s32 $0x100;
	s10 =	sadd.s32 $0x3200, s9;
	[sflag:s20] =	ssyncadd.s32 $0xFFFFCE00  }
0x91: {  	s7 =	sadd.s32 $0xC80, s9;
	p1 =	por p6, p6;
	_ =	swait.ge [sflag:s20], $0x3200  }
0x92: {  	s5 =	simm.s32 $0x80;
	s6 =	simm.s32 @!p1 $0x10;
	[sflag:s20] =	ssyncset.done $0x0  }
.LBB2_2:
0x93: {  	[sflag:s20] =	ssyncadd.s32 $0xFFFFCE00  }
0x94: {  	[hbm4b:s7+s4] =	stream.linear.scatter [tilespmem:s23], [sflag:$0x10], $0x6400, $0x38;
	[tilespmem:$0x19A40] =	vst v63  }
0x95: {  	_ =	swait.ge @!p1 [sflag:s6], $0x6400  }
0x96: {  	s12 =	rddreg [dreg:$0x9];
	[sflag:s6] =	ssyncset.done @!p1 $0x0  }
0x97: {  	[sflag:s6] =	ssyncadd.s32 @!p1 $0xFFFF9C00;
	s7 =	sadd.s32 s5, s12  }
0x98: {  	[tilespmem:s22], [sflag:$0x4] =	stream.linear.gather [hbm4b:s7+s4], $0x100, $0x38;
	[tilespmem:$0x19A40] =	vst v63  }
0x99: {  	_ = 	snop  }
0x9a: {  	[tilespmem:s23], [sflag:$0x8] =	stream.linear.gather [spmem:s3], $0x6400, $0x38;
	[tilespmem:$0x19A40] =	vst v63  }
0x9b: {  	_ =	swait.ge [sflag:s24], $0x100  }
0x9c: {  	[sflag:s24] =	ssyncset.done $0x0  }
0x9d: {  	[sflag:s24] =	ssyncadd.s32 $0xFFFFFF00  }
0x9e: {  	_ =	swait.ge [sflag:s25], $0x6400  }
0x9f: {  	[sflag:s25] =	ssyncset.done $0x0  }
0xa0: {  	s8 =	rddreg [dreg:$0xb];
	[sflag:s25] =	ssyncadd.s32 $0xFFFF9C00  }
0xa1: {  	[tilespmem:s14], [sflag:$0xA] =	stream.indirect.gather.add.f32 [hbm:s1], $0x80, s15, s19, $0xb8;
	[tilespmem:$0x19A40] =	vst v63  }
0xa2: {  	s9 =	rddreg [dreg:$0xa]  }
0xa3: {  	[tilespmem:s8], [sflag:$0xA] =	stream.indirect.gather.add.f32 [hbm:s1], $0x80, s9, s19, $0xb8;
	[tilespmem:$0x19A40] =	vst v63  }
0xa4: {  	_ =	swait.ge [sflag:s26], $0x3200  }
0xa5: {  	[sflag:s26] =	ssyncset.done $0x0  }
0xa6: {  	[sflag:s26] =	ssyncadd.s32 $0xFFFFCE00  }
0xa7: {  	p3 =	seq.s32 s17, $0x0;
	_ =	swait.ge [sflag:s26], $0x3200  }
0xa8: {  	p1 =	por p3, p3;
	p3 =	seq.s32 s5, $0xF80;
	[sflag:s26] =	ssyncset.done $0x0  }
0xa9: {  	s11 =	sadd.s32 $0xFFFFE700, s10;
	s6 =	simm.s32 @!p3 $0xD;
	[sflag:s26] =	ssyncadd.s32 $0xFFFFCE00  }
0xaa: {  	[hbm4b:s11+s4] =	stream.linear.scatter [tilespmem:s13], [sflag:$0xD], $0x6400, $0x38;
	[tilespmem:$0x19A40] =	vst v63  }
0xab: {  	_ =	swait.ge @!p3 [sflag:s6], $0x6400  }
0xac: {  	s8 =	simm.s32 @!p3 $0x0;
	[sflag:s6] =	ssyncset.done @!p3 $0x0;
	s7 =	rddreg [dreg:$0x8]  }
0xad: {  	[sflag:s6] =	ssyncadd.s32 @!p3 $0xFFFF9C00;
	s6 =	simm.s32 @!p3 $0x640;
	s9 =	sadd.s32 @!p3 s5, s7  }
0xae: {  	[tilespmem:s6], [sflag:$0x1] =	stream.linear.gather @!p3 [hbm4b:s9+s8], $0x100, $0x38;
	[tilespmem:$0x19A40] =	vst v63  }
0xaf: {  	s7 =	simm.s32 @!p3 $0xA40  }
0xb0: {  	[tilespmem:s7], [sflag:$0x5] =	stream.linear.gather @!p3 [spmem:s3], $0x6400, $0x38;
	[tilespmem:$0x19A40] =	vst v63  }
0xb1: {  	_ =	swait.ge [sflag:s28], $0x100  }
0xb2: {  	[sflag:s28] =	ssyncset.done $0x0  }
0xb3: {  	[sflag:s28] =	ssyncadd.s32 $0xFFFFFF00  }
0xb4: {  	_ =	swait.ge [sflag:s29], $0x6400  }
0xb5: {  	[sflag:s29] =	ssyncset.done $0x0  }
0xb6: {  	s12 =	simm.s32 $0x840;
	s9 =	rddreg [dreg:$0xd];
	[sflag:s29] =	ssyncadd.s32 $0xFFFF9C00  }
0xb7: {  	[tilespmem:s16], [sflag:$0xB] =	stream.indirect.gather.add.f32 [hbm:s1], $0x80, s12, s19, $0xb8;
	[tilespmem:$0x19A40] =	vst v63  }
0xb8: {  	s11 =	rddreg [dreg:$0xc]  }
0xb9: {  	[tilespmem:s9], [sflag:$0xB] =	stream.indirect.gather.add.f32 [hbm:s1], $0x80, s11, s19, $0xb8;
	[tilespmem:$0x19A40] =	vst v63  }
0xba: {  	_ =	swait.ge [sflag:s30], $0x3200  }
0xbb: {  	[sflag:s30] =	ssyncset.done $0x0  }
0xbc: {  	[sflag:s30] =	ssyncadd.s32 $0xFFFFCE00  }
0xbd: {  	_ =	swait.ge [sflag:s30], $0x3200  }
0xbe: {  	[sflag:s30] =	ssyncset.done $0x0  }
0xbf: {  	s12 =	sadd.s32 $0xFFFFF380, s10;
	s11 =	simm.s32 @!p3 $0xE;
	[sflag:s30] =	ssyncadd.s32 $0xFFFFCE00  }
0xc0: {  	[hbm4b:s12+s4] =	stream.linear.scatter [tilespmem:s14], [sflag:$0xE], $0x6400, $0x38;
	[tilespmem:$0x19A40] =	vst v63  }
0xc1: {  	_ =	swait.ge @!p3 [sflag:s11], $0x6400  }
0xc2: {  	s9 =	rddreg [dreg:$0x7];
	[sflag:s11] =	ssyncset.done @!p3 $0x0  }
0xc3: {  	[sflag:s11] =	ssyncadd.s32 @!p3 $0xFFFF9C00;
	s11 =	simm.s32 @!p3 $0x740;
	s9 =	sadd.s32 @!p3 s5, s9  }
0xc4: {  	[tilespmem:s11], [sflag:$0x2] =	stream.linear.gather @!p3 [hbm4b:s9+s8], $0x100, $0x38;
	[tilespmem:$0x19A40] =	vst v63  }
0xc5: {  	s12 =	simm.s32 @!p3 $0x6E40  }
0xc6: {  	[tilespmem:s12], [sflag:$0x6] =	stream.linear.gather @!p3 [spmem:s3], $0x6400, $0x38;
	[tilespmem:$0x19A40] =	vst v63  }
0xc7: {  	_ =	swait.ge [sflag:s31], $0x100  }
0xc8: {  	[sflag:s31] =	ssyncset.done $0x0  }
0xc9: {  	[sflag:s31] =	ssyncadd.s32 $0xFFFFFF00  }
0xca: {  	_ =	swait.ge [sflag:s0], $0x6400  }
0xcb: {  	[sflag:s0] =	ssyncset.done $0x0  }
0xcc: {  	s11 =	rddreg [dreg:$0xf];
	[sflag:s0] =	ssyncadd.s32 $0xFFFF9C00  }
0xcd: {  	[tilespmem:s23], [sflag:$0xC] =	stream.indirect.gather.add.f32 [hbm:s1], $0x80, s22, s19, $0xb8;
	[tilespmem:$0x19A40] =	vst v63  }
0xce: {  	s12 =	rddreg [dreg:$0xe]  }
0xcf: {  	[tilespmem:s11], [sflag:$0xC] =	stream.indirect.gather.add.f32 [hbm:s1], $0x80, s12, s19, $0xb8;
	[tilespmem:$0x19A40] =	vst v63  }
0xd0: {  	_ =	swait.ge [sflag:s2], $0x3200  }
0xd1: {  	[sflag:s2] =	ssyncset.done $0x0  }
0xd2: {  	[sflag:s2] =	ssyncadd.s32 $0xFFFFCE00  }
0xd3: {  	_ =	swait.ge [sflag:s2], $0x3200  }
0xd4: {  	[sflag:s2] =	ssyncset.done $0x0  }
0xd5: {  	s9 =	simm.s32 @!p3 $0xF;
	[sflag:s2] =	ssyncadd.s32 $0xFFFFCE00  }
0xd6: {  	[hbm4b:s10+s4] =	stream.linear.scatter [tilespmem:s16], [sflag:$0xF], $0x6400, $0x38;
	[tilespmem:$0x19A40] =	vst v63  }
0xd7: {  	_ =	swait.ge @!p3 [sflag:s9], $0x6400  }
0xd8: {  	s11 =	rddreg [dreg:$0x6];
	[sflag:s9] =	ssyncset.done @!p3 $0x0  }
0xd9: {  	[sflag:s9] =	ssyncadd.s32 @!p3 $0xFFFF9C00;
	s9 =	simm.s32 @!p3 $0x840;
	s11 =	sadd.s32 @!p3 s5, s11  }
0xda: {  	[tilespmem:s9], [sflag:$0x3] =	stream.linear.gather @!p3 [hbm4b:s11+s8], $0x100, $0x38;
	[tilespmem:$0x19A40] =	vst v63  }
0xdb: {  	s12 =	simm.s32 @!p3 $0xD240;
	s8 =	simm.s32 @!p3 $0x1  }
0xdc: {  	[tilespmem:s12], [sflag:$0x7] =	stream.linear.gather @!p3 [spmem:s3], $0x6400, $0x38;
	[tilespmem:$0x19A40] =	vst v63  }
0xdd: {  	_ =	swait.ge @!p3 [sflag:s8], $0x100  }
0xde: {  	[sflag:s8] =	ssyncset.done @!p3 $0x0  }
0xdf: {  	s9 =	simm.s32 @!p3 $0x5;
	[sflag:s8] =	ssyncadd.s32 @!p3 $0xFFFFFF00  }
0xe0: {  	_ =	swait.ge @!p3 [sflag:s9], $0x6400  }
0xe1: {  	s21 =	smov.u32 s17;
	[sflag:s9] =	ssyncset.done @!p3 $0x0  }
0xe2: {  	s17 =	sadd.s32 $0x80, s17;
	s8 =	simm.s32 @!p3 $0x64;
	[sflag:s9] =	ssyncadd.s32 @!p3 $0xFFFF9C00  }
0xe3: {  	[tilespmem:s7], [sflag:$0x9] =	stream.indirect.gather.add.f32 @!p3 [hbm:s1], $0x80, s6, s8, $0xb8;
	[tilespmem:$0x19A40] =	vst v63  }
0xe4: {  	p2 =	sne.s32 s17, $0x1000;
	s11 =	simm.s32 @!p3 $0x3C40;
	s9 =	simm.s32 @!p3 $0x6C0  }
0xe5: {  	[tilespmem:s11], [sflag:$0x9] =	stream.indirect.gather.add.f32 @!p3 [hbm:s1], $0x80, s9, s8, $0xb8;
	[tilespmem:$0x19A40] =	vst v63  }
.Ltmp0:
0xe6: {  	_ =	swait.ge [sflag:s20], $0x3200;
	(pc) =	sbr.rel @p2 .LBB2_2-.Ltmp0, $4  }
0xe7: {  	[sflag:s20] =	ssyncset.done $0x0  }
0xe8: {  	s18 =	smov.u32 s10;
	[sflag:s20] =	ssyncadd.s32 $0xFFFFCE00  }
0xe9: {  	s10 =	sadd.s32 $0x3200, s10;
	s5 =	smov.u32 s21;
	_ =	swait.ge [sflag:s20], $0x3200  }
0xea: {  	s6 =	simm.s32 @!p1 $0x10;
	s7 =	sadd.s32 $0xC80, s18;
	[sflag:s20] =	ssyncset.done $0x0  }
0xeb: {  	[sflag:s20] =	ssyncadd.s32 $0xFFFFCE00  }
0xec: {  	[hbm4b:s7+s4] =	stream.linear.scatter [tilespmem:s23], [sflag:$0x10], $0x6400, $0x38;
	[tilespmem:$0x19A40] =	vst v63  }
0xed: {  	_ =	swait.ge @!p1 [sflag:s6], $0x6400  }
0xee: {  	s21 =	rddreg [dreg:$0x9];
	[sflag:s6] =	ssyncset.done @!p1 $0x0  }
0xef: {  	[sflag:s6] =	ssyncadd.s32 @!p1 $0xFFFF9C00;
	s8 =	sadd.s32 s5, s21  }
0xf0: {  	[tilespmem:s22], [sflag:$0x4] =	stream.linear.gather [hbm4b:s8+s4], $0x100, $0x38;
	[tilespmem:$0x19A40] =	vst v63  }
0xf1: {  	_ = 	snop  }
0xf2: {  	[tilespmem:s23], [sflag:$0x8] =	stream.linear.gather [spmem:s3], $0x6400, $0x38;
	[tilespmem:$0x19A40] =	vst v63  }
0xf3: {  	_ =	swait.ge [sflag:s24], $0x100  }
0xf4: {  	[sflag:s24] =	ssyncset.done $0x0  }
0xf5: {  	[sflag:s24] =	ssyncadd.s32 $0xFFFFFF00  }
0xf6: {  	_ =	swait.ge [sflag:s25], $0x6400  }
0xf7: {  	[sflag:s25] =	ssyncset.done $0x0  }
0xf8: {  	s9 =	rddreg [dreg:$0xb];
	[sflag:s25] =	ssyncadd.s32 $0xFFFF9C00  }
0xf9: {  	[tilespmem:s14], [sflag:$0xA] =	stream.indirect.gather.add.f32 [hbm:s1], $0x80, s15, s19, $0xb8;
	[tilespmem:$0x19A40] =	vst v63  }
0xfa: {  	s11 =	rddreg [dreg:$0xa]  }
0xfb: {  	[tilespmem:s9], [sflag:$0xA] =	stream.indirect.gather.add.f32 [hbm:s1], $0x80, s11, s19, $0xb8;
	[tilespmem:$0x19A40] =	vst v63  }
0xfc: {  	_ =	swait.ge [sflag:s26], $0x3200  }
0xfd: {  	[sflag:s26] =	ssyncset.done $0x0  }
0xfe: {  	[sflag:s26] =	ssyncadd.s32 $0xFFFFCE00  }
0xff: {  	_ =	swait.ge [sflag:s26], $0x3200  }
0x100: {  	p1 =	seq.s32 s5, $0xF80;
	[sflag:s26] =	ssyncset.done $0x0  }
0x101: {  	s12 =	sadd.s32 $0xFFFFE700, s10;
	s6 =	simm.s32 @!p1 $0xD;
	[sflag:s26] =	ssyncadd.s32 $0xFFFFCE00  }
0x102: {  	[hbm4b:s12+s4] =	stream.linear.scatter [tilespmem:s13], [sflag:$0xD], $0x6400, $0x38;
	[tilespmem:$0x19A40] =	vst v63  }
0x103: {  	_ =	swait.ge @!p1 [sflag:s6], $0x6400  }
0x104: {  	s8 =	simm.s32 @!p1 $0x0;
	s7 =	rddreg [dreg:$0x8];
	[sflag:s6] =	ssyncset.done @!p1 $0x0  }
0x105: {  	[sflag:s6] =	ssyncadd.s32 @!p1 $0xFFFF9C00;
	s6 =	simm.s32 @!p1 $0x640;
	s7 =	sadd.s32 @!p1 s5, s7  }
0x106: {  	[tilespmem:s6], [sflag:$0x1] =	stream.linear.gather @!p1 [hbm4b:s7+s8], $0x100, $0x38;
	[tilespmem:$0x19A40] =	vst v63  }
0x107: {  	s7 =	simm.s32 @!p1 $0xA40  }
0x108: {  	[tilespmem:s7], [sflag:$0x5] =	stream.linear.gather @!p1 [spmem:s3], $0x6400, $0x38;
	[tilespmem:$0x19A40] =	vst v63  }
0x109: {  	_ =	swait.ge [sflag:s28], $0x100  }
0x10a: {  	[sflag:s28] =	ssyncset.done $0x0  }
0x10b: {  	[sflag:s28] =	ssyncadd.s32 $0xFFFFFF00  }
0x10c: {  	_ =	swait.ge [sflag:s29], $0x6400  }
0x10d: {  	[sflag:s29] =	ssyncset.done $0x0  }
0x10e: {  	s12 =	simm.s32 $0x840;
	s9 =	rddreg [dreg:$0xd];
	[sflag:s29] =	ssyncadd.s32 $0xFFFF9C00  }
0x10f: {  	[tilespmem:s16], [sflag:$0xB] =	stream.indirect.gather.add.f32 [hbm:s1], $0x80, s12, s19, $0xb8;
	[tilespmem:$0x19A40] =	vst v63  }
0x110: {  	s11 =	rddreg [dreg:$0xc]  }
0x111: {  	[tilespmem:s9], [sflag:$0xB] =	stream.indirect.gather.add.f32 [hbm:s1], $0x80, s11, s19, $0xb8;
	[tilespmem:$0x19A40] =	vst v63  }
0x112: {  	_ =	swait.ge [sflag:s30], $0x3200  }
0x113: {  	[sflag:s30] =	ssyncset.done $0x0  }
0x114: {  	[sflag:s30] =	ssyncadd.s32 $0xFFFFCE00  }
0x115: {  	_ =	swait.ge [sflag:s30], $0x3200  }
0x116: {  	[sflag:s30] =	ssyncset.done $0x0  }
0x117: {  	s17 =	sadd.s32 $0xFFFFF380, s10;
	s11 =	simm.s32 @!p1 $0xE;
	[sflag:s30] =	ssyncadd.s32 $0xFFFFCE00  }
0x118: {  	[hbm4b:s17+s4] =	stream.linear.scatter [tilespmem:s14], [sflag:$0xE], $0x6400, $0x38;
	[tilespmem:$0x19A40] =	vst v63  }
0x119: {  	_ =	swait.ge @!p1 [sflag:s11], $0x6400  }
0x11a: {  	s9 =	rddreg [dreg:$0x7];
	[sflag:s11] =	ssyncset.done @!p1 $0x0  }
0x11b: {  	[sflag:s11] =	ssyncadd.s32 @!p1 $0xFFFF9C00;
	s11 =	simm.s32 @!p1 $0x740;
	s9 =	sadd.s32 @!p1 s5, s9  }
0x11c: {  	[tilespmem:s11], [sflag:$0x2] =	stream.linear.gather @!p1 [hbm4b:s9+s8], $0x100, $0x38;
	[tilespmem:$0x19A40] =	vst v63  }
0x11d: {  	s9 =	simm.s32 @!p1 $0x6E40  }
0x11e: {  	[tilespmem:s9], [sflag:$0x6] =	stream.linear.gather @!p1 [spmem:s3], $0x6400, $0x38;
	[tilespmem:$0x19A40] =	vst v63  }
0x11f: {  	_ =	swait.ge [sflag:s31], $0x100  }
0x120: {  	[sflag:s31] =	ssyncset.done $0x0  }
0x121: {  	[sflag:s31] =	ssyncadd.s32 $0xFFFFFF00  }
0x122: {  	_ =	swait.ge [sflag:s0], $0x6400  }
0x123: {  	[sflag:s0] =	ssyncset.done $0x0  }
0x124: {  	s18 =	rddreg [dreg:$0xf];
	[sflag:s0] =	ssyncadd.s32 $0xFFFF9C00  }
0x125: {  	[tilespmem:s23], [sflag:$0xC] =	stream.indirect.gather.add.f32 [hbm:s1], $0x80, s22, s19, $0xb8;
	[tilespmem:$0x19A40] =	vst v63  }
0x126: {  	s21 =	rddreg [dreg:$0xe]  }
0x127: {  	[tilespmem:s18], [sflag:$0xC] =	stream.indirect.gather.add.f32 [hbm:s1], $0x80, s21, s19, $0xb8;
	[tilespmem:$0x19A40] =	vst v63  }
0x128: {  	_ =	swait.ge [sflag:s2], $0x3200  }
0x129: {  	[sflag:s2] =	ssyncset.done $0x0  }
0x12a: {  	[sflag:s2] =	ssyncadd.s32 $0xFFFFCE00  }
0x12b: {  	_ =	swait.ge [sflag:s2], $0x3200  }
0x12c: {  	[sflag:s2] =	ssyncset.done $0x0  }
0x12d: {  	s9 =	simm.s32 @!p1 $0xF;
	[sflag:s2] =	ssyncadd.s32 $0xFFFFCE00  }
0x12e: {  	[hbm4b:s10+s4] =	stream.linear.scatter [tilespmem:s16], [sflag:$0xF], $0x6400, $0x38;
	[tilespmem:$0x19A40] =	vst v63  }
0x12f: {  	_ =	swait.ge @!p1 [sflag:s9], $0x6400  }
0x130: {  	s11 =	rddreg [dreg:$0x6];
	[sflag:s9] =	ssyncset.done @!p1 $0x0  }
0x131: {  	[sflag:s9] =	ssyncadd.s32 @!p1 $0xFFFF9C00;
	s5 =	sadd.s32 @!p1 s5, s11;
	s9 =	simm.s32 @!p1 $0x840  }
0x132: {  	[tilespmem:s9], [sflag:$0x3] =	stream.linear.gather @!p1 [hbm4b:s5+s8], $0x100, $0x38;
	[tilespmem:$0x19A40] =	vst v63  }
0x133: {  	s5 =	simm.s32 @!p1 $0xD240  }
0x134: {  	[tilespmem:s5], [sflag:$0x7] =	stream.linear.gather @!p1 [spmem:s3], $0x6400, $0x38;
	[tilespmem:$0x19A40] =	vst v63  }
0x135: {  	s5 =	simm.s32 @!p1 $0x1  }
0x136: {  	_ =	swait.ge @!p1 [sflag:s5], $0x100  }
0x137: {  	[sflag:s5] =	ssyncset.done @!p1 $0x0  }
0x138: {  	[sflag:s5] =	ssyncadd.s32 @!p1 $0xFFFFFF00;
	s5 =	simm.s32 @!p1 $0x5  }
0x139: {  	_ =	swait.ge @!p1 [sflag:s5], $0x6400  }
0x13a: {  	[sflag:s5] =	ssyncset.done @!p1 $0x0  }
0x13b: {  	[sflag:s5] =	ssyncadd.s32 @!p1 $0xFFFF9C00;
	s5 =	simm.s32 @!p1 $0x64  }
0x13c: {  	[tilespmem:s7], [sflag:$0x9] =	stream.indirect.gather.add.f32 @!p1 [hbm:s1], $0x80, s6, s5, $0xb8;
	[tilespmem:$0x19A40] =	vst v63  }
0x13d: {  	s6 =	simm.s32 @!p1 $0x6C0;
	s7 =	simm.s32 @!p1 $0x3C40  }
0x13e: {  	[tilespmem:s7], [sflag:$0x9] =	stream.indirect.gather.add.f32 @!p1 [hbm:s1], $0x80, s6, s5, $0xb8;
	[tilespmem:$0x19A40] =	vst v63  }
0x13f: {  	_ =	swait.ge [sflag:s20], $0x3200  }
0x140: {  	[sflag:s20] =	ssyncset.done $0x0  }
0x141: {  	[sflag:s20] =	ssyncadd.s32 $0xFFFFCE00  }
0x142: {  	_ =	swait.ge [sflag:s20], $0x3200  }
0x143: {  	[sflag:s20] =	ssyncset.done $0x0  }
0x144: {  	s9 =	sadd.s32 $0xC80, s10;
	s10 =	simm.s32 $0xD;
	[sflag:s20] =	ssyncadd.s32 $0xFFFFCE00  }
0x145: {  	[hbm4b:s9+s4] =	stream.linear.scatter [tilespmem:s23], [sflag:$0x10], $0x6400, $0x38;
	[tilespmem:$0x19A40] =	vst v63  }
0x146: {  	_ =	swait.ge [sflag:s10], $0x6400  }
0x147: {  	[sflag:s10] =	ssyncset.done $0x0  }
0x148: {  	s11 =	simm.s32 $0xE;
	[sflag:s10] =	ssyncadd.s32 $0xFFFF9C00  }
0x149: {  	_ =	swait.ge [sflag:s11], $0x6400  }
0x14a: {  	[sflag:s11] =	ssyncset.done $0x0  }
0x14b: {  	s12 =	simm.s32 $0xF;
	[sflag:s11] =	ssyncadd.s32 $0xFFFF9C00  }
0x14c: {  	_ =	swait.ge [sflag:s12], $0x6400  }
0x14d: {  	[sflag:s12] =	ssyncset.done $0x0  }
0x14e: {  	s17 =	simm.s32 $0x10;
	[sflag:s12] =	ssyncadd.s32 $0xFFFF9C00  }
0x14f: {  	_ =	swait.ge [sflag:s17], $0x6400  }
0x150: {  	s18 =	rddreg [dreg:$0x16]  }
0x151: {  	s21 =	rddreg [dreg:$0x13];
	s7 =	sadd.s32 $0x1, s18  }
0x152: {  	p1 =	sne.s32 s7, s21  }
.Ltmp1:
0x153: {  	_ = 	snop;
	(pc) =	sbr.rel @p1 .LBB2_1-.Ltmp1, $3  }
0x154: {  	_ =	sdelay $0x1  }
0x155: {  	[sflag:s17] =	ssyncset.done $0x0  }
0x156: {  	[sflag:s17] =	ssyncadd.s32 $0xFFFF9C00  }
0x157: {  	_ =	sfence.sel $0x180000  }
0x158: {  	[bflag:$0x0] =	sbarrier.arrive $0xFFFF  }
0x159: {  	_ =	strace $0x90000047  }
0x15a: {  	[bflag:$0x2] =	sbarrier.arrive $0xFFFF  }
0x15b: {  	s0 =	rddreg [dreg:$0x5]  }
0x15c: {  	s0 =	sadd.s32 @!p0 $0x100000, s0  }
0x15d: {  	[sflag:s0] =	ssyncadd.tile.s32 @!p0 $0x1;
	_ =	shalt  }
.Lfunc_end2:
_tile_overlayer_lowered:
.L_overlay_start_2:
0x15e: {  	(tag) =	ssettag $0x2  }
0x15f: {  	s0 =	rddreg [dreg:$0x0];
	s2 =	stileid.u32  }
0x160: {  	s1 =	rddreg [dreg:$0x1];
	p0 =	sne.s32 s2, $0x0  }
0x161: {  	s3 =	rddreg [dreg:$0x2];
	[bflag:$0x3] =	sbarrier.arrive $0xFFFF;
	s2 =	simm.s32 @!p0 $0x1C11  }
0x162: {  	[timem:s3], [sflag:s2] =	dma.local @!p0 [hbm:s0], s1  }
0x163: {  	s0 =	simm.s32 @!p0 $0x11  }
0x164: {  	_ =	swait.ge @!p0 [sflag:s0], s1  }
0x165: {  	s1 =	ssub.s32 @!p0 $0x0, s1;
	[sflag:s0] =	ssyncset.done @!p0 $0x0  }
0x166: {  	[sflag:s0] =	ssyncadd.s32 @!p0 s1  }
0x167: {  	[bflag:$0x3] =	sbarrier.arrive $0xFFFF  }
0x168: {  	_ =	shalt  }

</sc_bundles>
